<compile_context>
chip_gen: v7x
topology: tpu7x:2x2x1
jax: 0.10.2.dev20260603
libtpu: 0.0.44.dev20260713+nightly
codegen_flags: <defaults>
</compile_context>

<pallas_src>
import functools

import jax
import jax.numpy as jnp
from jax import lax
from jax.experimental import pallas as pl
from jax.experimental.pallas import tpu as pltpu
from jax.experimental.pallas import tpu_sc as plsc

_N_E = 8192
_E_DIM = 256
_BETA = 0.25
_B = 8
_L = 576
_N_TOK = _B * _L
_KB = 4096
_NB = _N_E // _KB

_NC = 2
_NS = 16
_NW = _NC * _NS
_TPW = _N_TOK // _NW
_TPW_A = 80
_TPW_B = 64


def _argmin_body(z_ref, emb_ref, ov_ref, oi_ref, ztm2_ref):
    kb = pl.program_id(0)

    @pl.when(kb == 0)
    def _():
        for b in range(_B):
            ztm2_ref[b] = -2.0 * jnp.transpose(z_ref[b])

    emb_blk = emb_ref[...]
    esq = jnp.transpose(
        jnp.sum(emb_blk * emb_blk, axis=1, keepdims=True))
    kidx = jax.lax.broadcasted_iota(jnp.int32, (_L, _KB), 1).astype(jnp.float32)
    for b in range(_B):
        ztb = ztm2_ref[b]
        a = 0.25 * jnp.sum(ztb * ztb, axis=1, keepdims=True)
        c2 = jax.lax.dot_general(
            ztb, emb_blk, (((1,), (1,)), ((), ())),
            preferred_element_type=jnp.float32)
        d = (a + esq) + c2
        mv = jnp.min(d, axis=1, keepdims=True)
        mi = jnp.min(jnp.where(d == mv, kidx, jnp.float32(1e9)),
                     axis=1, keepdims=True).astype(jnp.int32) + kb * _KB

        @pl.when(kb == 0)
        def _():
            ov_ref[:, b:b + 1] = mv
            oi_ref[:, b:b + 1] = mi

        @pl.when(kb != 0)
        def _():
            old_v = ov_ref[:, b:b + 1]
            upd = mv < old_v
            ov_ref[:, b:b + 1] = jnp.where(upd, mv, old_v)
            oi_ref[:, b:b + 1] = jnp.where(upd, mi, oi_ref[:, b:b + 1])


def _argmin_call(z, emb):
    return pl.pallas_call(
        _argmin_body,
        grid=(_NB,),
        in_specs=[
            pl.BlockSpec((_B, _E_DIM, _L), lambda kb: (0, 0, 0)),
            pl.BlockSpec((_KB, _E_DIM), lambda kb: (kb, 0)),
        ],
        out_specs=[
            pl.BlockSpec((_L, _B), lambda kb: (0, 0)),
            pl.BlockSpec((_L, _B), lambda kb: (0, 0)),
        ],
        out_shape=[
            jax.ShapeDtypeStruct((_L, _B), jnp.float32),
            jax.ShapeDtypeStruct((_L, _B), jnp.int32),
        ],
        scratch_shapes=[pltpu.VMEM((_B, _L, _E_DIM), jnp.float32)],
    )(z, emb)


_sc_mesh = plsc.VectorSubcoreMesh(core_axis_name="c", subcore_axis_name="s")


@functools.partial(
    pl.kernel,
    mesh=_sc_mesh,
    out_type=[
        jax.ShapeDtypeStruct((_N_TOK, _E_DIM), jnp.float32),
        jax.ShapeDtypeStruct((_NC, _N_E), jnp.float32),
    ],
    scratch_types=[
        pltpu.VMEM((_TPW_A,), jnp.int32),
        pltpu.VMEM((_TPW_B,), jnp.int32),
        pltpu.VMEM((_TPW_A, _E_DIM), jnp.float32),
        pltpu.VMEM((_TPW_B, _E_DIM), jnp.float32),
        pltpu.VMEM((_TPW_A,), jnp.float32),
        pltpu.VMEM((_TPW_B,), jnp.float32),
        pltpu.VMEM((_N_E // _NS,), jnp.float32),
        pltpu.VMEM_SHARED((_N_E,), jnp.float32),
        pltpu.SemaphoreType.DMA,
    ],
)
def _sc_gather_hist(emb_hbm, idx_hbm, q_hbm, parts_hbm,
                    idx_a, idx_b, rows_a, rows_b, ones_a, ones_b,
                    zeros_v, shared_counts, sem):
    cid = lax.axis_index("c")
    sid = lax.axis_index("s")
    wid = sid * _NC + cid
    base = wid * _TPW
    pltpu.sync_copy(idx_hbm.at[pl.ds(base, _TPW_A)], idx_a)
    pltpu.sync_copy(idx_hbm.at[pl.ds(base + _TPW_A, _TPW_B)], idx_b)
    cp_a = pltpu.async_copy(emb_hbm.at[idx_a], rows_a, sem)
    cp_b = pltpu.async_copy(emb_hbm.at[idx_b], rows_b, sem)
    one = jnp.ones((16,), jnp.float32)
    for j in range(_TPW_A // 16):
        ones_a[pl.ds(j * 16, 16)] = one
    for j in range(_TPW_B // 16):
        ones_b[pl.ds(j * 16, 16)] = one

    seg = _N_E // _NS
    for j in range(seg // 16):
        zeros_v[pl.ds(j * 16, 16)] = jnp.zeros((16,), jnp.float32)
    pltpu.sync_copy(zeros_v, shared_counts.at[pl.ds(sid * seg, seg)])

    plsc.subcore_barrier()
    pltpu.sync_copy(ones_a, shared_counts.at[idx_a], add=True)
    pltpu.sync_copy(ones_b, shared_counts.at[idx_b], add=True)
    plsc.subcore_barrier()

    @pl.when(sid == 0)
    def _():
        pltpu.sync_copy(shared_counts, parts_hbm.at[cid])

    cp_a.wait()
    cp_b.wait()
    pltpu.sync_copy(rows_a, q_hbm.at[pl.ds(base, _TPW_A)])
    pltpu.sync_copy(rows_b, q_hbm.at[pl.ds(base + _TPW_A, _TPW_B)])


def _epilogue_body(mv_ref, parts_ref, q_ref, loss_ref, ppl_ref, zq_ref):
    s = jnp.sum(mv_ref[...])
    loss = (1.0 + _BETA) * s / (_N_TOK * _E_DIM)
    loss_ref[...] = jnp.full((1, 1), loss, jnp.float32)
    counts = jnp.sum(parts_ref[...], axis=0, keepdims=True)
    e_mean = counts * (1.0 / _N_TOK)
    ent = jnp.sum(e_mean * jnp.log(e_mean + 1e-10))
    ppl_ref[...] = jnp.full((1, 1), jnp.exp(-ent), jnp.float32)
    for b in range(_B):
        zq_ref[b] = jnp.transpose(q_ref[b])


def _epilogue_call(minval, parts, quantized):
    return pl.pallas_call(
        _epilogue_body,
        out_shape=[
            jax.ShapeDtypeStruct((1, 1), jnp.float32),
            jax.ShapeDtypeStruct((1, 1), jnp.float32),
            jax.ShapeDtypeStruct((_B, _E_DIM, _L), jnp.float32),
        ],
    )(minval, parts, quantized)


def kernel(z, emb):
    minval, minidx = _argmin_call(z, emb)
    idx = minidx.T.reshape(-1)
    quantized, parts = _sc_gather_hist(emb, idx)
    loss2d, ppl2d, z_q = _epilogue_call(
        minval, parts, quantized.reshape(_B, _L, _E_DIM))
    return (loss2d[0, 0], z_q, ppl2d[0, 0], idx[:, None])

# --- scband reference (transcript-rebuilt; emitter-appended) ---
"""Pipeline reference for scband-vector-quantizer-62225486185149 (READ-ONLY COPY).

The authoritative reference and input builder live on the scoring server;
editing this copy changes nothing except your own understanding.
"""

import jax, jax.numpy as jnp
import numpy as np

N_E = 8192
E_DIM = 256
BETA = 0.25

def setup_inputs(seed: int = 0) -> dict:
    key = jax.random.key(seed)
    k1, k2 = jax.random.split(key)
    z = jax.random.normal(k1, (8, 256, 576), dtype=jnp.float32)
    emb = jax.random.uniform(k2, (N_E, E_DIM), dtype=jnp.float32, minval=-1.0 / N_E, maxval=1.0 / N_E)
    return {"z": z, "emb": emb}

def reference(z, emb):
    # z: [B, e_dim, L] -> [B, L, e_dim]
    zt = jnp.transpose(z, (0, 2, 1))
    z_flat = zt.reshape(-1, E_DIM)
    d = (jnp.sum(z_flat ** 2, axis=1, keepdims=True)
         + jnp.sum(emb ** 2, axis=1)
         - 2.0 * jnp.matmul(z_flat, emb.T))
    min_encoding_indices = jnp.argmin(d, axis=1)[:, None]
    n_tok = min_encoding_indices.shape[0]
    min_encodings = jnp.zeros((n_tok, N_E), dtype=jnp.float32).at[
        jnp.arange(n_tok), min_encoding_indices[:, 0]].set(1.0)
    quantized = jnp.matmul(min_encodings, emb).reshape(zt.shape)
    e_latent_loss = jnp.mean((jax.lax.stop_gradient(quantized) - zt) ** 2)
    q_latent_loss = jnp.mean((quantized - jax.lax.stop_gradient(zt)) ** 2)
    loss = q_latent_loss + BETA * e_latent_loss
    quantized_st = zt + jax.lax.stop_gradient(quantized - zt)
    e_mean = jnp.mean(min_encodings, axis=0)
    perplexity = jnp.exp(-jnp.sum(e_mean * jnp.log(e_mean + 1e-10)))
    z_q = jnp.transpose(quantized_st, (0, 2, 1))
    return (loss, z_q, perplexity, min_encoding_indices)

if __name__ == "__main__":
    import jax
    _d = setup_inputs()
    print(jax.jit(kernel)(*tuple(_d.values())))

</pallas_src>

<mosaic_0001>
#map = affine_map<(d0, d1) -> (0, 0)>
#map1 = affine_map<(d0, d1) -> (0)>
module attributes {stable_mosaic.version = 14 : i64} {
  func.func @_sc_gather_hist(%arg0: i32, %arg1: i32, %arg2: memref<8192x256xf32, #tpu.memory_space<hbm>>, %arg3: memref<4608xi32, #tpu.memory_space<hbm>>, %arg4: memref<4608x256xf32, #tpu.memory_space<hbm>>, %arg5: memref<2x8192xf32, #tpu.memory_space<hbm>>, %arg6: memref<80xi32, #tpu.memory_space<vmem>>, %arg7: memref<64xi32, #tpu.memory_space<vmem>>, %arg8: memref<80x256xf32, #tpu.memory_space<vmem>>, %arg9: memref<64x256xf32, #tpu.memory_space<vmem>>, %arg10: memref<80xf32, #tpu.memory_space<vmem>>, %arg11: memref<64xf32, #tpu.memory_space<vmem>>, %arg12: memref<512xf32, #tpu.memory_space<vmem>>, %arg13: memref<8192xf32, #tpu.memory_space<vmem_shared>>, %arg14: memref<!tpu.dma_semaphore, #tpu.memory_space<semaphore_mem>>) attributes {dimension_semantics = [#tpu.dimension_semantics<core_parallel>, #tpu.dimension_semantics<subcore_parallel>], iteration_bounds = array<i64: 2, 16>, scalar_prefetch = 0 : i64, scratch_operands = 9 : i64, tpu.core_type = #tpu.core_type<sc_vector_subcore>, window_params = [{transform_indices = #map}, {transform_indices = #map1}, {transform_indices = #map}, {transform_indices = #map}]} {
    %mul3A = arith.constant 2 : i32
    %mul3A_0 = arith.muli %arg1, %mul3A : i32
    %add3A = arith.addi %mul3A_0, %arg0 : i32
    %mul3A_1 = arith.constant 144 : i32
    %mul3A_2 = arith.muli %add3A, %mul3A_1 : i32
    "tpu.region"() ({
      %run_scoped3A = tpu.sem_alloc : memref<!tpu.dma_semaphore, #tpu.memory_space<semaphore_mem>>
      %dma_start3A_250 = tpu.memref_slice %arg3[%mul3A_2] : memref<4608xi32, #tpu.memory_space<hbm>> -> memref<80xi32, #tpu.memory_space<hbm>>
      %dma_start3A_251 = tpu.memref_slice %arg3[%mul3A_2] : memref<4608xi32, #tpu.memory_space<hbm>> -> memref<80xi32, #tpu.memory_space<hbm>>
      tpu.enqueue_dma source(%dma_start3A_251 : memref<80xi32, #tpu.memory_space<hbm>>) target(%arg6 : memref<80xi32, #tpu.memory_space<vmem>>) target_semaphore(%run_scoped3A : memref<!tpu.dma_semaphore, #tpu.memory_space<semaphore_mem>>)
      %dma_wait3A_252 = tpu.memref_slice %arg3[%mul3A_2] : memref<4608xi32, #tpu.memory_space<hbm>> -> memref<80xi32, #tpu.memory_space<hbm>>
      %dma_wait3A_253 = tpu.memref_slice %arg3[%mul3A_2] : memref<4608xi32, #tpu.memory_space<hbm>> -> memref<80xi32, #tpu.memory_space<hbm>>
      tpu.wait_dma2 semaphore(%run_scoped3A : memref<!tpu.dma_semaphore, #tpu.memory_space<semaphore_mem>>) src(%dma_wait3A_253 : memref<80xi32, #tpu.memory_space<hbm>>) dst(%arg6 : memref<80xi32, #tpu.memory_space<vmem>>)
      tpu.yield
    }) : () -> ()
    %add3A_3 = arith.constant 80 : i32
    %add3A_4 = arith.addi %mul3A_2, %add3A_3 : i32
    "tpu.region"() ({
      %run_scoped3A = tpu.sem_alloc : memref<!tpu.dma_semaphore, #tpu.memory_space<semaphore_mem>>
      %dma_start3A_250 = tpu.memref_slice %arg3[%add3A_4] : memref<4608xi32, #tpu.memory_space<hbm>> -> memref<64xi32, #tpu.memory_space<hbm>>
      %dma_start3A_251 = tpu.memref_slice %arg3[%add3A_4] : memref<4608xi32, #tpu.memory_space<hbm>> -> memref<64xi32, #tpu.memory_space<hbm>>
      tpu.enqueue_dma source(%dma_start3A_251 : memref<64xi32, #tpu.memory_space<hbm>>) target(%arg7 : memref<64xi32, #tpu.memory_space<vmem>>) target_semaphore(%run_scoped3A : memref<!tpu.dma_semaphore, #tpu.memory_space<semaphore_mem>>)
      %dma_wait3A_252 = tpu.memref_slice %arg3[%add3A_4] : memref<4608xi32, #tpu.memory_space<hbm>> -> memref<64xi32, #tpu.memory_space<hbm>>
      %dma_wait3A_253 = tpu.memref_slice %arg3[%add3A_4] : memref<4608xi32, #tpu.memory_space<hbm>> -> memref<64xi32, #tpu.memory_space<hbm>>
      tpu.wait_dma2 semaphore(%run_scoped3A : memref<!tpu.dma_semaphore, #tpu.memory_space<semaphore_mem>>) src(%dma_wait3A_253 : memref<64xi32, #tpu.memory_space<hbm>>) dst(%arg7 : memref<64xi32, #tpu.memory_space<vmem>>)
      tpu.yield
    }) : () -> ()
    %dma_start3A = arith.constant 0 : i32
    %dma_start3A_5 = arith.constant 0 : i32
    %dma_start3A_6 = tpu.memref_slice %arg2[%dma_start3A, %dma_start3A_5] : memref<8192x256xf32, #tpu.memory_space<hbm>> -> memref<8192x256xf32, #tpu.memory_space<hbm>>
    tpu.enqueue_indirect_dma source(%dma_start3A_6 : memref<8192x256xf32, #tpu.memory_space<hbm>>) target(%arg8 : memref<80x256xf32, #tpu.memory_space<vmem>>) offsets(%arg6 : memref<80xi32, #tpu.memory_space<vmem>>) semaphore(%arg14 : memref<!tpu.dma_semaphore, #tpu.memory_space<semaphore_mem>>)
    %dma_start3A_7 = arith.constant 0 : i32
    %dma_start3A_8 = arith.constant 0 : i32
    %dma_start3A_9 = tpu.memref_slice %arg2[%dma_start3A_7, %dma_start3A_8] : memref<8192x256xf32, #tpu.memory_space<hbm>> -> memref<8192x256xf32, #tpu.memory_space<hbm>>
    tpu.enqueue_indirect_dma source(%dma_start3A_9 : memref<8192x256xf32, #tpu.memory_space<hbm>>) target(%arg9 : memref<64x256xf32, #tpu.memory_space<vmem>>) offsets(%arg7 : memref<64xi32, #tpu.memory_space<vmem>>) semaphore(%arg14 : memref<!tpu.dma_semaphore, #tpu.memory_space<semaphore_mem>>)
    %broadcast_in_dim3A = arith.constant 1.000000e+00 : f32
    %broadcast_in_dim3A_10 = vector.broadcast %broadcast_in_dim3A : f32 to vector<16xf32>
    %swap3A = arith.constant 0 : index
    %swap3A_11 = tpu.vector_load %arg10[%swap3A] {strides = array<i32>} : memref<80xf32, #tpu.memory_space<vmem>>, vector<16xf32>,
    %swap3A_12 = vector.shape_cast %swap3A_11 : vector<16xf32> to vector<16xf32>
    %swap3A_13 = vector.shape_cast %broadcast_in_dim3A_10 : vector<16xf32> to vector<16xf32>
    tpu.vector_store %arg10[%swap3A], %swap3A_13 {strides = array<i32>} : memref<80xf32, #tpu.memory_space<vmem>>, vector<16xf32>,
    %swap3A_14 = arith.constant 16 : index
    %swap3A_15 = tpu.vector_load %arg10[%swap3A_14] {strides = array<i32>} : memref<80xf32, #tpu.memory_space<vmem>>, vector<16xf32>,
    %swap3A_16 = vector.shape_cast %swap3A_15 : vector<16xf32> to vector<16xf32>
    %swap3A_17 = vector.shape_cast %broadcast_in_dim3A_10 : vector<16xf32> to vector<16xf32>
    tpu.vector_store %arg10[%swap3A_14], %swap3A_17 {strides = array<i32>} : memref<80xf32, #tpu.memory_space<vmem>>, vector<16xf32>,
    %swap3A_18 = arith.constant 32 : index
    %swap3A_19 = tpu.vector_load %arg10[%swap3A_18] {strides = array<i32>} : memref<80xf32, #tpu.memory_space<vmem>>, vector<16xf32>,
    %swap3A_20 = vector.shape_cast %swap3A_19 : vector<16xf32> to vector<16xf32>
    %swap3A_21 = vector.shape_cast %broadcast_in_dim3A_10 : vector<16xf32> to vector<16xf32>
    tpu.vector_store %arg10[%swap3A_18], %swap3A_21 {strides = array<i32>} : memref<80xf32, #tpu.memory_space<vmem>>, vector<16xf32>,
    %swap3A_22 = arith.constant 48 : index
    %swap3A_23 = tpu.vector_load %arg10[%swap3A_22] {strides = array<i32>} : memref<80xf32, #tpu.memory_space<vmem>>, vector<16xf32>,
    %swap3A_24 = vector.shape_cast %swap3A_23 : vector<16xf32> to vector<16xf32>
    %swap3A_25 = vector.shape_cast %broadcast_in_dim3A_10 : vector<16xf32> to vector<16xf32>
    tpu.vector_store %arg10[%swap3A_22], %swap3A_25 {strides = array<i32>} : memref<80xf32, #tpu.memory_space<vmem>>, vector<16xf32>,
    %swap3A_26 = arith.constant 64 : index
    %swap3A_27 = tpu.vector_load %arg10[%swap3A_26] {strides = array<i32>} : memref<80xf32, #tpu.memory_space<vmem>>, vector<16xf32>,
    %swap3A_28 = vector.shape_cast %swap3A_27 : vector<16xf32> to vector<16xf32>
    %swap3A_29 = vector.shape_cast %broadcast_in_dim3A_10 : vector<16xf32> to vector<16xf32>
    tpu.vector_store %arg10[%swap3A_26], %swap3A_29 {strides = array<i32>} : memref<80xf32, #tpu.memory_space<vmem>>, vector<16xf32>,
    %swap3A_30 = arith.constant 0 : index
    %swap3A_31 = tpu.vector_load %arg11[%swap3A_30] {strides = array<i32>} : memref<64xf32, #tpu.memory_space<vmem>>, vector<16xf32>,
    %swap3A_32 = vector.shape_cast %swap3A_31 : vector<16xf32> to vector<16xf32>
    %swap3A_33 = vector.shape_cast %broadcast_in_dim3A_10 : vector<16xf32> to vector<16xf32>
    tpu.vector_store %arg11[%swap3A_30], %swap3A_33 {strides = array<i32>} : memref<64xf32, #tpu.memory_space<vmem>>, vector<16xf32>,
    %swap3A_34 = arith.constant 16 : index
    %swap3A_35 = tpu.vector_load %arg11[%swap3A_34] {strides = array<i32>} : memref<64xf32, #tpu.memory_space<vmem>>, vector<16xf32>,
    %swap3A_36 = vector.shape_cast %swap3A_35 : vector<16xf32> to vector<16xf32>
    %swap3A_37 = vector.shape_cast %broadcast_in_dim3A_10 : vector<16xf32> to vector<16xf32>
    tpu.vector_store %arg11[%swap3A_34], %swap3A_37 {strides = array<i32>} : memref<64xf32, #tpu.memory_space<vmem>>, vector<16xf32>,
    %swap3A_38 = arith.constant 32 : index
    %swap3A_39 = tpu.vector_load %arg11[%swap3A_38] {strides = array<i32>} : memref<64xf32, #tpu.memory_space<vmem>>, vector<16xf32>,
    %swap3A_40 = vector.shape_cast %swap3A_39 : vector<16xf32> to vector<16xf32>
    %swap3A_41 = vector.shape_cast %broadcast_in_dim3A_10 : vector<16xf32> to vector<16xf32>
    tpu.vector_store %arg11[%swap3A_38], %swap3A_41 {strides = array<i32>} : memref<64xf32, #tpu.memory_space<vmem>>, vector<16xf32>,
    %swap3A_42 = arith.constant 48 : index
    %swap3A_43 = tpu.vector_load %arg11[%swap3A_42] {strides = array<i32>} : memref<64xf32, #tpu.memory_space<vmem>>, vector<16xf32>,
    %swap3A_44 = vector.shape_cast %swap3A_43 : vector<16xf32> to vector<16xf32>
    %swap3A_45 = vector.shape_cast %broadcast_in_dim3A_10 : vector<16xf32> to vector<16xf32>
    tpu.vector_store %arg11[%swap3A_42], %swap3A_45 {strides = array<i32>} : memref<64xf32, #tpu.memory_space<vmem>>, vector<16xf32>,
    %broadcast_in_dim3A_46 = arith.constant 0.000000e+00 : f32
    %broadcast_in_dim3A_47 = vector.broadcast %broadcast_in_dim3A_46 : f32 to vector<16xf32>
    %swap3A_48 = arith.constant 0 : index
    %swap3A_49 = tpu.vector_load %arg12[%swap3A_48] {strides = array<i32>} : memref<512xf32, #tpu.memory_space<vmem>>, vector<16xf32>,
    %swap3A_50 = vector.shape_cast %swap3A_49 : vector<16xf32> to vector<16xf32>
    %swap3A_51 = vector.shape_cast %broadcast_in_dim3A_47 : vector<16xf32> to vector<16xf32>
    tpu.vector_store %arg12[%swap3A_48], %swap3A_51 {strides = array<i32>} : memref<512xf32, #tpu.memory_space<vmem>>, vector<16xf32>,
    %broadcast_in_dim3A_52 = arith.constant 0.000000e+00 : f32
    %broadcast_in_dim3A_53 = vector.broadcast %broadcast_in_dim3A_52 : f32 to vector<16xf32>
    %swap3A_54 = arith.constant 16 : index
    %swap3A_55 = tpu.vector_load %arg12[%swap3A_54] {strides = array<i32>} : memref<512xf32, #tpu.memory_space<vmem>>, vector<16xf32>,
    %swap3A_56 = vector.shape_cast %swap3A_55 : vector<16xf32> to vector<16xf32>
    %swap3A_57 = vector.shape_cast %broadcast_in_dim3A_53 : vector<16xf32> to vector<16xf32>
    tpu.vector_store %arg12[%swap3A_54], %swap3A_57 {strides = array<i32>} : memref<512xf32, #tpu.memory_space<vmem>>, vector<16xf32>,
    %broadcast_in_dim3A_58 = arith.constant 0.000000e+00 : f32
    %broadcast_in_dim3A_59 = vector.broadcast %broadcast_in_dim3A_58 : f32 to vector<16xf32>
    %swap3A_60 = arith.constant 32 : index
    %swap3A_61 = tpu.vector_load %arg12[%swap3A_60] {strides = array<i32>} : memref<512xf32, #tpu.memory_space<vmem>>, vector<16xf32>,
    %swap3A_62 = vector.shape_cast %swap3A_61 : vector<16xf32> to vector<16xf32>
    %swap3A_63 = vector.shape_cast %broadcast_in_dim3A_59 : vector<16xf32> to vector<16xf32>
    tpu.vector_store %arg12[%swap3A_60], %swap3A_63 {strides = array<i32>} : memref<512xf32, #tpu.memory_space<vmem>>, vector<16xf32>,
    %broadcast_in_dim3A_64 = arith.constant 0.000000e+00 : f32
    %broadcast_in_dim3A_65 = vector.broadcast %broadcast_in_dim3A_64 : f32 to vector<16xf32>
    %swap3A_66 = arith.constant 48 : index
    %swap3A_67 = tpu.vector_load %arg12[%swap3A_66] {strides = array<i32>} : memref<512xf32, #tpu.memory_space<vmem>>, vector<16xf32>,
    %swap3A_68 = vector.shape_cast %swap3A_67 : vector<16xf32> to vector<16xf32>
    %swap3A_69 = vector.shape_cast %broadcast_in_dim3A_65 : vector<16xf32> to vector<16xf32>
    tpu.vector_store %arg12[%swap3A_66], %swap3A_69 {strides = array<i32>} : memref<512xf32, #tpu.memory_space<vmem>>, vector<16xf32>,
    %broadcast_in_dim3A_70 = arith.constant 0.000000e+00 : f32
    %broadcast_in_dim3A_71 = vector.broadcast %broadcast_in_dim3A_70 : f32 to vector<16xf32>
    %swap3A_72 = arith.constant 64 : index
    %swap3A_73 = tpu.vector_load %arg12[%swap3A_72] {strides = array<i32>} : memref<512xf32, #tpu.memory_space<vmem>>, vector<16xf32>,
    %swap3A_74 = vector.shape_cast %swap3A_73 : vector<16xf32> to vector<16xf32>
    %swap3A_75 = vector.shape_cast %broadcast_in_dim3A_71 : vector<16xf32> to vector<16xf32>
    tpu.vector_store %arg12[%swap3A_72], %swap3A_75 {strides = array<i32>} : memref<512xf32, #tpu.memory_space<vmem>>, vector<16xf32>,
    %broadcast_in_dim3A_76 = arith.constant 0.000000e+00 : f32
    %broadcast_in_dim3A_77 = vector.broadcast %broadcast_in_dim3A_76 : f32 to vector<16xf32>
    %swap3A_78 = arith.constant 80 : index
    %swap3A_79 = tpu.vector_load %arg12[%swap3A_78] {strides = array<i32>} : memref<512xf32, #tpu.memory_space<vmem>>, vector<16xf32>,
    %swap3A_80 = vector.shape_cast %swap3A_79 : vector<16xf32> to vector<16xf32>
    %swap3A_81 = vector.shape_cast %broadcast_in_dim3A_77 : vector<16xf32> to vector<16xf32>
    tpu.vector_store %arg12[%swap3A_78], %swap3A_81 {strides = array<i32>} : memref<512xf32, #tpu.memory_space<vmem>>, vector<16xf32>,
    %broadcast_in_dim3A_82 = arith.constant 0.000000e+00 : f32
    %broadcast_in_dim3A_83 = vector.broadcast %broadcast_in_dim3A_82 : f32 to vector<16xf32>
    %swap3A_84 = arith.constant 96 : index
    %swap3A_85 = tpu.vector_load %arg12[%swap3A_84] {strides = array<i32>} : memref<512xf32, #tpu.memory_space<vmem>>, vector<16xf32>,
    %swap3A_86 = vector.shape_cast %swap3A_85 : vector<16xf32> to vector<16xf32>
    %swap3A_87 = vector.shape_cast %broadcast_in_dim3A_83 : vector<16xf32> to vector<16xf32>
    tpu.vector_store %arg12[%swap3A_84], %swap3A_87 {strides = array<i32>} : memref<512xf32, #tpu.memory_space<vmem>>, vector<16xf32>,
    %broadcast_in_dim3A_88 = arith.constant 0.000000e+00 : f32
    %broadcast_in_dim3A_89 = vector.broadcast %broadcast_in_dim3A_88 : f32 to vector<16xf32>
    %swap3A_90 = arith.constant 112 : index
    %swap3A_91 = tpu.vector_load %arg12[%swap3A_90] {strides = array<i32>} : memref<512xf32, #tpu.memory_space<vmem>>, vector<16xf32>,
    %swap3A_92 = vector.shape_cast %swap3A_91 : vector<16xf32> to vector<16xf32>
    %swap3A_93 = vector.shape_cast %broadcast_in_dim3A_89 : vector<16xf32> to vector<16xf32>
    tpu.vector_store %arg12[%swap3A_90], %swap3A_93 {strides = array<i32>} : memref<512xf32, #tpu.memory_space<vmem>>, vector<16xf32>,
    %broadcast_in_dim3A_94 = arith.constant 0.000000e+00 : f32
    %broadcast_in_dim3A_95 = vector.broadcast %broadcast_in_dim3A_94 : f32 to vector<16xf32>
    %swap3A_96 = arith.constant 128 : index
    %swap3A_97 = tpu.vector_load %arg12[%swap3A_96] {strides = array<i32>} : memref<512xf32, #tpu.memory_space<vmem>>, vector<16xf32>,
    %swap3A_98 = vector.shape_cast %swap3A_97 : vector<16xf32> to vector<16xf32>
    %swap3A_99 = vector.shape_cast %broadcast_in_dim3A_95 : vector<16xf32> to vector<16xf32>
    tpu.vector_store %arg12[%swap3A_96], %swap3A_99 {strides = array<i32>} : memref<512xf32, #tpu.memory_space<vmem>>, vector<16xf32>,
    %broadcast_in_dim3A_100 = arith.constant 0.000000e+00 : f32
    %broadcast_in_dim3A_101 = vector.broadcast %broadcast_in_dim3A_100 : f32 to vector<16xf32>
    %swap3A_102 = arith.constant 144 : index
    %swap3A_103 = tpu.vector_load %arg12[%swap3A_102] {strides = array<i32>} : memref<512xf32, #tpu.memory_space<vmem>>, vector<16xf32>,
    %swap3A_104 = vector.shape_cast %swap3A_103 : vector<16xf32> to vector<16xf32>
    %swap3A_105 = vector.shape_cast %broadcast_in_dim3A_101 : vector<16xf32> to vector<16xf32>
    tpu.vector_store %arg12[%swap3A_102], %swap3A_105 {strides = array<i32>} : memref<512xf32, #tpu.memory_space<vmem>>, vector<16xf32>,
    %broadcast_in_dim3A_106 = arith.constant 0.000000e+00 : f32
    %broadcast_in_dim3A_107 = vector.broadcast %broadcast_in_dim3A_106 : f32 to vector<16xf32>
    %swap3A_108 = arith.constant 160 : index
    %swap3A_109 = tpu.vector_load %arg12[%swap3A_108] {strides = array<i32>} : memref<512xf32, #tpu.memory_space<vmem>>, vector<16xf32>,
    %swap3A_110 = vector.shape_cast %swap3A_109 : vector<16xf32> to vector<16xf32>
    %swap3A_111 = vector.shape_cast %broadcast_in_dim3A_107 : vector<16xf32> to vector<16xf32>
    tpu.vector_store %arg12[%swap3A_108], %swap3A_111 {strides = array<i32>} : memref<512xf32, #tpu.memory_space<vmem>>, vector<16xf32>,
    %broadcast_in_dim3A_112 = arith.constant 0.000000e+00 : f32
    %broadcast_in_dim3A_113 = vector.broadcast %broadcast_in_dim3A_112 : f32 to vector<16xf32>
    %swap3A_114 = arith.constant 176 : index
    %swap3A_115 = tpu.vector_load %arg12[%swap3A_114] {strides = array<i32>} : memref<512xf32, #tpu.memory_space<vmem>>, vector<16xf32>,
    %swap3A_116 = vector.shape_cast %swap3A_115 : vector<16xf32> to vector<16xf32>
    %swap3A_117 = vector.shape_cast %broadcast_in_dim3A_113 : vector<16xf32> to vector<16xf32>
    tpu.vector_store %arg12[%swap3A_114], %swap3A_117 {strides = array<i32>} : memref<512xf32, #tpu.memory_space<vmem>>, vector<16xf32>,
    %broadcast_in_dim3A_118 = arith.constant 0.000000e+00 : f32
    %broadcast_in_dim3A_119 = vector.broadcast %broadcast_in_dim3A_118 : f32 to vector<16xf32>
    %swap3A_120 = arith.constant 192 : index
    %swap3A_121 = tpu.vector_load %arg12[%swap3A_120] {strides = array<i32>} : memref<512xf32, #tpu.memory_space<vmem>>, vector<16xf32>,
    %swap3A_122 = vector.shape_cast %swap3A_121 : vector<16xf32> to vector<16xf32>
    %swap3A_123 = vector.shape_cast %broadcast_in_dim3A_119 : vector<16xf32> to vector<16xf32>
    tpu.vector_store %arg12[%swap3A_120], %swap3A_123 {strides = array<i32>} : memref<512xf32, #tpu.memory_space<vmem>>, vector<16xf32>,
    %broadcast_in_dim3A_124 = arith.constant 0.000000e+00 : f32
    %broadcast_in_dim3A_125 = vector.broadcast %broadcast_in_dim3A_124 : f32 to vector<16xf32>
    %swap3A_126 = arith.constant 208 : index
    %swap3A_127 = tpu.vector_load %arg12[%swap3A_126] {strides = array<i32>} : memref<512xf32, #tpu.memory_space<vmem>>, vector<16xf32>,
    %swap3A_128 = vector.shape_cast %swap3A_127 : vector<16xf32> to vector<16xf32>
    %swap3A_129 = vector.shape_cast %broadcast_in_dim3A_125 : vector<16xf32> to vector<16xf32>
    tpu.vector_store %arg12[%swap3A_126], %swap3A_129 {strides = array<i32>} : memref<512xf32, #tpu.memory_space<vmem>>, vector<16xf32>,
    %broadcast_in_dim3A_130 = arith.constant 0.000000e+00 : f32
    %broadcast_in_dim3A_131 = vector.broadcast %broadcast_in_dim3A_130 : f32 to vector<16xf32>
    %swap3A_132 = arith.constant 224 : index
    %swap3A_133 = tpu.vector_load %arg12[%swap3A_132] {strides = array<i32>} : memref<512xf32, #tpu.memory_space<vmem>>, vector<16xf32>,
    %swap3A_134 = vector.shape_cast %swap3A_133 : vector<16xf32> to vector<16xf32>
    %swap3A_135 = vector.shape_cast %broadcast_in_dim3A_131 : vector<16xf32> to vector<16xf32>
    tpu.vector_store %arg12[%swap3A_132], %swap3A_135 {strides = array<i32>} : memref<512xf32, #tpu.memory_space<vmem>>, vector<16xf32>,
    %broadcast_in_dim3A_136 = arith.constant 0.000000e+00 : f32
    %broadcast_in_dim3A_137 = vector.broadcast %broadcast_in_dim3A_136 : f32 to vector<16xf32>
    %swap3A_138 = arith.constant 240 : index
    %swap3A_139 = tpu.vector_load %arg12[%swap3A_138] {strides = array<i32>} : memref<512xf32, #tpu.memory_space<vmem>>, vector<16xf32>,
    %swap3A_140 = vector.shape_cast %swap3A_139 : vector<16xf32> to vector<16xf32>
    %swap3A_141 = vector.shape_cast %broadcast_in_dim3A_137 : vector<16xf32> to vector<16xf32>
    tpu.vector_store %arg12[%swap3A_138], %swap3A_141 {strides = array<i32>} : memref<512xf32, #tpu.memory_space<vmem>>, vector<16xf32>,
    %broadcast_in_dim3A_142 = arith.constant 0.000000e+00 : f32
    %broadcast_in_dim3A_143 = vector.broadcast %broadcast_in_dim3A_142 : f32 to vector<16xf32>
    %swap3A_144 = arith.constant 256 : index
    %swap3A_145 = tpu.vector_load %arg12[%swap3A_144] {strides = array<i32>} : memref<512xf32, #tpu.memory_space<vmem>>, vector<16xf32>,
    %swap3A_146 = vector.shape_cast %swap3A_145 : vector<16xf32> to vector<16xf32>
    %swap3A_147 = vector.shape_cast %broadcast_in_dim3A_143 : vector<16xf32> to vector<16xf32>
    tpu.vector_store %arg12[%swap3A_144], %swap3A_147 {strides = array<i32>} : memref<512xf32, #tpu.memory_space<vmem>>, vector<16xf32>,
    %broadcast_in_dim3A_148 = arith.constant 0.000000e+00 : f32
    %broadcast_in_dim3A_149 = vector.broadcast %broadcast_in_dim3A_148 : f32 to vector<16xf32>
    %swap3A_150 = arith.constant 272 : index
    %swap3A_151 = tpu.vector_load %arg12[%swap3A_150] {strides = array<i32>} : memref<512xf32, #tpu.memory_space<vmem>>, vector<16xf32>,
    %swap3A_152 = vector.shape_cast %swap3A_151 : vector<16xf32> to vector<16xf32>
    %swap3A_153 = vector.shape_cast %broadcast_in_dim3A_149 : vector<16xf32> to vector<16xf32>
    tpu.vector_store %arg12[%swap3A_150], %swap3A_153 {strides = array<i32>} : memref<512xf32, #tpu.memory_space<vmem>>, vector<16xf32>,
    %broadcast_in_dim3A_154 = arith.constant 0.000000e+00 : f32
    %broadcast_in_dim3A_155 = vector.broadcast %broadcast_in_dim3A_154 : f32 to vector<16xf32>
    %swap3A_156 = arith.constant 288 : index
    %swap3A_157 = tpu.vector_load %arg12[%swap3A_156] {strides = array<i32>} : memref<512xf32, #tpu.memory_space<vmem>>, vector<16xf32>,
    %swap3A_158 = vector.shape_cast %swap3A_157 : vector<16xf32> to vector<16xf32>
    %swap3A_159 = vector.shape_cast %broadcast_in_dim3A_155 : vector<16xf32> to vector<16xf32>
    tpu.vector_store %arg12[%swap3A_156], %swap3A_159 {strides = array<i32>} : memref<512xf32, #tpu.memory_space<vmem>>, vector<16xf32>,
    %broadcast_in_dim3A_160 = arith.constant 0.000000e+00 : f32
    %broadcast_in_dim3A_161 = vector.broadcast %broadcast_in_dim3A_160 : f32 to vector<16xf32>
    %swap3A_162 = arith.constant 304 : index
    %swap3A_163 = tpu.vector_load %arg12[%swap3A_162] {strides = array<i32>} : memref<512xf32, #tpu.memory_space<vmem>>, vector<16xf32>,
    %swap3A_164 = vector.shape_cast %swap3A_163 : vector<16xf32> to vector<16xf32>
    %swap3A_165 = vector.shape_cast %broadcast_in_dim3A_161 : vector<16xf32> to vector<16xf32>
    tpu.vector_store %arg12[%swap3A_162], %swap3A_165 {strides = array<i32>} : memref<512xf32, #tpu.memory_space<vmem>>, vector<16xf32>,
    %broadcast_in_dim3A_166 = arith.constant 0.000000e+00 : f32
    %broadcast_in_dim3A_167 = vector.broadcast %broadcast_in_dim3A_166 : f32 to vector<16xf32>
    %swap3A_168 = arith.constant 320 : index
    %swap3A_169 = tpu.vector_load %arg12[%swap3A_168] {strides = array<i32>} : memref<512xf32, #tpu.memory_space<vmem>>, vector<16xf32>,
    %swap3A_170 = vector.shape_cast %swap3A_169 : vector<16xf32> to vector<16xf32>
    %swap3A_171 = vector.shape_cast %broadcast_in_dim3A_167 : vector<16xf32> to vector<16xf32>
    tpu.vector_store %arg12[%swap3A_168], %swap3A_171 {strides = array<i32>} : memref<512xf32, #tpu.memory_space<vmem>>, vector<16xf32>,
    %broadcast_in_dim3A_172 = arith.constant 0.000000e+00 : f32
    %broadcast_in_dim3A_173 = vector.broadcast %broadcast_in_dim3A_172 : f32 to vector<16xf32>
    %swap3A_174 = arith.constant 336 : index
    %swap3A_175 = tpu.vector_load %arg12[%swap3A_174] {strides = array<i32>} : memref<512xf32, #tpu.memory_space<vmem>>, vector<16xf32>,
    %swap3A_176 = vector.shape_cast %swap3A_175 : vector<16xf32> to vector<16xf32>
    %swap3A_177 = vector.shape_cast %broadcast_in_dim3A_173 : vector<16xf32> to vector<16xf32>
    tpu.vector_store %arg12[%swap3A_174], %swap3A_177 {strides = array<i32>} : memref<512xf32, #tpu.memory_space<vmem>>, vector<16xf32>,
    %broadcast_in_dim3A_178 = arith.constant 0.000000e+00 : f32
    %broadcast_in_dim3A_179 = vector.broadcast %broadcast_in_dim3A_178 : f32 to vector<16xf32>
    %swap3A_180 = arith.constant 352 : index
    %swap3A_181 = tpu.vector_load %arg12[%swap3A_180] {strides = array<i32>} : memref<512xf32, #tpu.memory_space<vmem>>, vector<16xf32>,
    %swap3A_182 = vector.shape_cast %swap3A_181 : vector<16xf32> to vector<16xf32>
    %swap3A_183 = vector.shape_cast %broadcast_in_dim3A_179 : vector<16xf32> to vector<16xf32>
    tpu.vector_store %arg12[%swap3A_180], %swap3A_183 {strides = array<i32>} : memref<512xf32, #tpu.memory_space<vmem>>, vector<16xf32>,
    %broadcast_in_dim3A_184 = arith.constant 0.000000e+00 : f32
    %broadcast_in_dim3A_185 = vector.broadcast %broadcast_in_dim3A_184 : f32 to vector<16xf32>
    %swap3A_186 = arith.constant 368 : index
    %swap3A_187 = tpu.vector_load %arg12[%swap3A_186] {strides = array<i32>} : memref<512xf32, #tpu.memory_space<vmem>>, vector<16xf32>,
    %swap3A_188 = vector.shape_cast %swap3A_187 : vector<16xf32> to vector<16xf32>
    %swap3A_189 = vector.shape_cast %broadcast_in_dim3A_185 : vector<16xf32> to vector<16xf32>
    tpu.vector_store %arg12[%swap3A_186], %swap3A_189 {strides = array<i32>} : memref<512xf32, #tpu.memory_space<vmem>>, vector<16xf32>,
    %broadcast_in_dim3A_190 = arith.constant 0.000000e+00 : f32
    %broadcast_in_dim3A_191 = vector.broadcast %broadcast_in_dim3A_190 : f32 to vector<16xf32>
    %swap3A_192 = arith.constant 384 : index
    %swap3A_193 = tpu.vector_load %arg12[%swap3A_192] {strides = array<i32>} : memref<512xf32, #tpu.memory_space<vmem>>, vector<16xf32>,
    %swap3A_194 = vector.shape_cast %swap3A_193 : vector<16xf32> to vector<16xf32>
    %swap3A_195 = vector.shape_cast %broadcast_in_dim3A_191 : vector<16xf32> to vector<16xf32>
    tpu.vector_store %arg12[%swap3A_192], %swap3A_195 {strides = array<i32>} : memref<512xf32, #tpu.memory_space<vmem>>, vector<16xf32>,
    %broadcast_in_dim3A_196 = arith.constant 0.000000e+00 : f32
    %broadcast_in_dim3A_197 = vector.broadcast %broadcast_in_dim3A_196 : f32 to vector<16xf32>
    %swap3A_198 = arith.constant 400 : index
    %swap3A_199 = tpu.vector_load %arg12[%swap3A_198] {strides = array<i32>} : memref<512xf32, #tpu.memory_space<vmem>>, vector<16xf32>,
    %swap3A_200 = vector.shape_cast %swap3A_199 : vector<16xf32> to vector<16xf32>
    %swap3A_201 = vector.shape_cast %broadcast_in_dim3A_197 : vector<16xf32> to vector<16xf32>
    tpu.vector_store %arg12[%swap3A_198], %swap3A_201 {strides = array<i32>} : memref<512xf32, #tpu.memory_space<vmem>>, vector<16xf32>,
    %broadcast_in_dim3A_202 = arith.constant 0.000000e+00 : f32
    %broadcast_in_dim3A_203 = vector.broadcast %broadcast_in_dim3A_202 : f32 to vector<16xf32>
    %swap3A_204 = arith.constant 416 : index
    %swap3A_205 = tpu.vector_load %arg12[%swap3A_204] {strides = array<i32>} : memref<512xf32, #tpu.memory_space<vmem>>, vector<16xf32>,
    %swap3A_206 = vector.shape_cast %swap3A_205 : vector<16xf32> to vector<16xf32>
    %swap3A_207 = vector.shape_cast %broadcast_in_dim3A_203 : vector<16xf32> to vector<16xf32>
    tpu.vector_store %arg12[%swap3A_204], %swap3A_207 {strides = array<i32>} : memref<512xf32, #tpu.memory_space<vmem>>, vector<16xf32>,
    %broadcast_in_dim3A_208 = arith.constant 0.000000e+00 : f32
    %broadcast_in_dim3A_209 = vector.broadcast %broadcast_in_dim3A_208 : f32 to vector<16xf32>
    %swap3A_210 = arith.constant 432 : index
    %swap3A_211 = tpu.vector_load %arg12[%swap3A_210] {strides = array<i32>} : memref<512xf32, #tpu.memory_space<vmem>>, vector<16xf32>,
    %swap3A_212 = vector.shape_cast %swap3A_211 : vector<16xf32> to vector<16xf32>
    %swap3A_213 = vector.shape_cast %broadcast_in_dim3A_209 : vector<16xf32> to vector<16xf32>
    tpu.vector_store %arg12[%swap3A_210], %swap3A_213 {strides = array<i32>} : memref<512xf32, #tpu.memory_space<vmem>>, vector<16xf32>,
    %broadcast_in_dim3A_214 = arith.constant 0.000000e+00 : f32
    %broadcast_in_dim3A_215 = vector.broadcast %broadcast_in_dim3A_214 : f32 to vector<16xf32>
    %swap3A_216 = arith.constant 448 : index
    %swap3A_217 = tpu.vector_load %arg12[%swap3A_216] {strides = array<i32>} : memref<512xf32, #tpu.memory_space<vmem>>, vector<16xf32>,
    %swap3A_218 = vector.shape_cast %swap3A_217 : vector<16xf32> to vector<16xf32>
    %swap3A_219 = vector.shape_cast %broadcast_in_dim3A_215 : vector<16xf32> to vector<16xf32>
    tpu.vector_store %arg12[%swap3A_216], %swap3A_219 {strides = array<i32>} : memref<512xf32, #tpu.memory_space<vmem>>, vector<16xf32>,
    %broadcast_in_dim3A_220 = arith.constant 0.000000e+00 : f32
    %broadcast_in_dim3A_221 = vector.broadcast %broadcast_in_dim3A_220 : f32 to vector<16xf32>
    %swap3A_222 = arith.constant 464 : index
    %swap3A_223 = tpu.vector_load %arg12[%swap3A_222] {strides = array<i32>} : memref<512xf32, #tpu.memory_space<vmem>>, vector<16xf32>,
    %swap3A_224 = vector.shape_cast %swap3A_223 : vector<16xf32> to vector<16xf32>
    %swap3A_225 = vector.shape_cast %broadcast_in_dim3A_221 : vector<16xf32> to vector<16xf32>
    tpu.vector_store %arg12[%swap3A_222], %swap3A_225 {strides = array<i32>} : memref<512xf32, #tpu.memory_space<vmem>>, vector<16xf32>,
    %broadcast_in_dim3A_226 = arith.constant 0.000000e+00 : f32
    %broadcast_in_dim3A_227 = vector.broadcast %broadcast_in_dim3A_226 : f32 to vector<16xf32>
    %swap3A_228 = arith.constant 480 : index
    %swap3A_229 = tpu.vector_load %arg12[%swap3A_228] {strides = array<i32>} : memref<512xf32, #tpu.memory_space<vmem>>, vector<16xf32>,
    %swap3A_230 = vector.shape_cast %swap3A_229 : vector<16xf32> to vector<16xf32>
    %swap3A_231 = vector.shape_cast %broadcast_in_dim3A_227 : vector<16xf32> to vector<16xf32>
    tpu.vector_store %arg12[%swap3A_228], %swap3A_231 {strides = array<i32>} : memref<512xf32, #tpu.memory_space<vmem>>, vector<16xf32>,
    %broadcast_in_dim3A_232 = arith.constant 0.000000e+00 : f32
    %broadcast_in_dim3A_233 = vector.broadcast %broadcast_in_dim3A_232 : f32 to vector<16xf32>
    %swap3A_234 = arith.constant 496 : index
    %swap3A_235 = tpu.vector_load %arg12[%swap3A_234] {strides = array<i32>} : memref<512xf32, #tpu.memory_space<vmem>>, vector<16xf32>,
    %swap3A_236 = vector.shape_cast %swap3A_235 : vector<16xf32> to vector<16xf32>
    %swap3A_237 = vector.shape_cast %broadcast_in_dim3A_233 : vector<16xf32> to vector<16xf32>
    tpu.vector_store %arg12[%swap3A_234], %swap3A_237 {strides = array<i32>} : memref<512xf32, #tpu.memory_space<vmem>>, vector<16xf32>,
    %mul3A_238 = arith.constant 512 : i32
    %mul3A_239 = arith.muli %arg1, %mul3A_238 : i32
    "tpu.region"() ({
      %run_scoped3A = tpu.sem_alloc : memref<!tpu.dma_semaphore, #tpu.memory_space<semaphore_mem>>
      %dma_start3A_250 = tpu.memref_slice %arg13[%mul3A_239] : memref<8192xf32, #tpu.memory_space<vmem_shared>> -> memref<512xf32, #tpu.memory_space<vmem_shared>>
      %dma_start3A_251 = tpu.memref_slice %arg13[%mul3A_239] : memref<8192xf32, #tpu.memory_space<vmem_shared>> -> memref<512xf32, #tpu.memory_space<vmem_shared>>
      tpu.enqueue_dma source(%arg12 : memref<512xf32, #tpu.memory_space<vmem>>) target(%dma_start3A_251 : memref<512xf32, #tpu.memory_space<vmem_shared>>) target_semaphore(%run_scoped3A : memref<!tpu.dma_semaphore, #tpu.memory_space<semaphore_mem>>)
      %dma_wait3A_252 = tpu.memref_slice %arg13[%mul3A_239] : memref<8192xf32, #tpu.memory_space<vmem_shared>> -> memref<512xf32, #tpu.memory_space<vmem_shared>>
      %dma_wait3A_253 = tpu.memref_slice %arg13[%mul3A_239] : memref<8192xf32, #tpu.memory_space<vmem_shared>> -> memref<512xf32, #tpu.memory_space<vmem_shared>>
      tpu.wait_dma2 semaphore(%run_scoped3A : memref<!tpu.dma_semaphore, #tpu.memory_space<semaphore_mem>>) src(%arg12 : memref<512xf32, #tpu.memory_space<vmem>>) dst(%dma_wait3A_253 : memref<512xf32, #tpu.memory_space<vmem_shared>>)
      tpu.yield
    }) : () -> ()
    %barrier3A = arith.constant 0 : index
    tpu.barrier barrier_id(%barrier3A)
    "tpu.region"() ({
      %run_scoped3A = tpu.sem_alloc : memref<!tpu.dma_semaphore, #tpu.memory_space<semaphore_mem>>
      %dma_start3A_250 = arith.constant 0 : i32
      %dma_start3A_251 = tpu.memref_slice %arg13[%dma_start3A_250] : memref<8192xf32, #tpu.memory_space<vmem_shared>> -> memref<8192xf32, #tpu.memory_space<vmem_shared>>
      tpu.enqueue_indirect_dma source(%arg10 : memref<80xf32, #tpu.memory_space<vmem>>) target(%dma_start3A_251 : memref<8192xf32, #tpu.memory_space<vmem_shared>>) offsets(%arg6 : memref<80xi32, #tpu.memory_space<vmem>>) semaphore(%run_scoped3A : memref<!tpu.dma_semaphore, #tpu.memory_space<semaphore_mem>>) {add = true}
      %dma_wait3A_252 = arith.constant 0 : i32
      %dma_wait3A_253 = tpu.memref_slice %arg13[%dma_wait3A_252] : memref<8192xf32, #tpu.memory_space<vmem_shared>> -> memref<8192xf32, #tpu.memory_space<vmem_shared>>
      tpu.wait_indirect_dma semaphore(%run_scoped3A : memref<!tpu.dma_semaphore, #tpu.memory_space<semaphore_mem>>) src(%arg10 : memref<80xf32, #tpu.memory_space<vmem>>) dst(%dma_wait3A_253 : memref<8192xf32, #tpu.memory_space<vmem_shared>>)
      tpu.yield
    }) : () -> ()
    "tpu.region"() ({
      %run_scoped3A = tpu.sem_alloc : memref<!tpu.dma_semaphore, #tpu.memory_space<semaphore_mem>>
      %dma_start3A_250 = arith.constant 0 : i32
      %dma_start3A_251 = tpu.memref_slice %arg13[%dma_start3A_250] : memref<8192xf32, #tpu.memory_space<vmem_shared>> -> memref<8192xf32, #tpu.memory_space<vmem_shared>>
      tpu.enqueue_indirect_dma source(%arg11 : memref<64xf32, #tpu.memory_space<vmem>>) target(%dma_start3A_251 : memref<8192xf32, #tpu.memory_space<vmem_shared>>) offsets(%arg7 : memref<64xi32, #tpu.memory_space<vmem>>) semaphore(%run_scoped3A : memref<!tpu.dma_semaphore, #tpu.memory_space<semaphore_mem>>) {add = true}
      %dma_wait3A_252 = arith.constant 0 : i32
      %dma_wait3A_253 = tpu.memref_slice %arg13[%dma_wait3A_252] : memref<8192xf32, #tpu.memory_space<vmem_shared>> -> memref<8192xf32, #tpu.memory_space<vmem_shared>>
      tpu.wait_indirect_dma semaphore(%run_scoped3A : memref<!tpu.dma_semaphore, #tpu.memory_space<semaphore_mem>>) src(%arg11 : memref<64xf32, #tpu.memory_space<vmem>>) dst(%dma_wait3A_253 : memref<8192xf32, #tpu.memory_space<vmem_shared>>)
      tpu.yield
    }) : () -> ()
    %barrier3A_240 = arith.constant 0 : index
    tpu.barrier barrier_id(%barrier3A_240)
    %eq3A = arith.constant 0 : i32
    %eq3A_241 = arith.cmpi eq, %arg1, %eq3A : i32
    %convert_element_type3A = arith.extui %eq3A_241 : i1 to i32
    %cond3A = arith.constant 0 : i32
    %cond3A_242 = arith.cmpi ne, %convert_element_type3A, %cond3A : i32
    scf.if %cond3A_242 {
      "tpu.region"() ({
        %run_scoped3A = tpu.sem_alloc : memref<!tpu.dma_semaphore, #tpu.memory_space<semaphore_mem>>
        %dma_start3A_250 = arith.constant 0 : i32
        %dma_start3A_251 = tpu.memref_slice %arg5[%arg0, %dma_start3A_250] : memref<2x8192xf32, #tpu.memory_space<hbm>> -> memref<1x8192xf32, #tpu.memory_space<hbm>>
        %dma_start3A_252 = tpu.memref_squeeze %dma_start3A_251 : memref<1x8192xf32, #tpu.memory_space<hbm>> -> memref<8192xf32, #tpu.memory_space<hbm>>
        tpu.enqueue_dma source(%arg13 : memref<8192xf32, #tpu.memory_space<vmem_shared>>) target(%dma_start3A_252 : memref<8192xf32, #tpu.memory_space<hbm>>) target_semaphore(%run_scoped3A : memref<!tpu.dma_semaphore, #tpu.memory_space<semaphore_mem>>)
        %dma_wait3A_253 = arith.constant 0 : i32
        %dma_wait3A_254 = tpu.memref_slice %arg5[%arg0, %dma_wait3A_253] : memref<2x8192xf32, #tpu.memory_space<hbm>> -> memref<1x8192xf32, #tpu.memory_space<hbm>>
        %dma_wait3A_255 = tpu.memref_squeeze %dma_wait3A_254 : memref<1x8192xf32, #tpu.memory_space<hbm>> -> memref<8192xf32, #tpu.memory_space<hbm>>
        tpu.wait_dma2 semaphore(%run_scoped3A : memref<!tpu.dma_semaphore, #tpu.memory_space<semaphore_mem>>) src(%arg13 : memref<8192xf32, #tpu.memory_space<vmem_shared>>) dst(%dma_wait3A_255 : memref<8192xf32, #tpu.memory_space<hbm>>)
        tpu.yield
      }) : () -> ()
    } else {
    }
    %dma_wait3A = arith.constant 0 : i32
    %dma_wait3A_243 = arith.constant 0 : i32
    %dma_wait3A_244 = tpu.memref_slice %arg2[%dma_wait3A, %dma_wait3A_243] : memref<8192x256xf32, #tpu.memory_space<hbm>> -> memref<8192x256xf32, #tpu.memory_space<hbm>>
    tpu.wait_indirect_dma semaphore(%arg14 : memref<!tpu.dma_semaphore, #tpu.memory_space<semaphore_mem>>) src(%dma_wait3A_244 : memref<8192x256xf32, #tpu.memory_space<hbm>>) dst(%arg8 : memref<80x256xf32, #tpu.memory_space<vmem>>)
    %dma_wait3A_245 = arith.constant 0 : i32
    %dma_wait3A_246 = arith.constant 0 : i32
    %dma_wait3A_247 = tpu.memref_slice %arg2[%dma_wait3A_245, %dma_wait3A_246] : memref<8192x256xf32, #tpu.memory_space<hbm>> -> memref<8192x256xf32, #tpu.memory_space<hbm>>
    tpu.wait_indirect_dma semaphore(%arg14 : memref<!tpu.dma_semaphore, #tpu.memory_space<semaphore_mem>>) src(%dma_wait3A_247 : memref<8192x256xf32, #tpu.memory_space<hbm>>) dst(%arg9 : memref<64x256xf32, #tpu.memory_space<vmem>>)
    "tpu.region"() ({
      %run_scoped3A = tpu.sem_alloc : memref<!tpu.dma_semaphore, #tpu.memory_space<semaphore_mem>>
      %dma_start3A_250 = arith.constant 0 : i32
      %dma_start3A_251 = tpu.memref_slice %arg4[%mul3A_2, %dma_start3A_250] : memref<4608x256xf32, #tpu.memory_space<hbm>> -> memref<80x256xf32, #tpu.memory_space<hbm>>
      %dma_start3A_252 = arith.constant 0 : i32
      %dma_start3A_253 = tpu.memref_slice %arg4[%mul3A_2, %dma_start3A_252] : memref<4608x256xf32, #tpu.memory_space<hbm>> -> memref<80x256xf32, #tpu.memory_space<hbm>>
      tpu.enqueue_dma source(%arg8 : memref<80x256xf32, #tpu.memory_space<vmem>>) target(%dma_start3A_253 : memref<80x256xf32, #tpu.memory_space<hbm>>) target_semaphore(%run_scoped3A : memref<!tpu.dma_semaphore, #tpu.memory_space<semaphore_mem>>)
      %dma_wait3A_254 = arith.constant 0 : i32
      %dma_wait3A_255 = tpu.memref_slice %arg4[%mul3A_2, %dma_wait3A_254] : memref<4608x256xf32, #tpu.memory_space<hbm>> -> memref<80x256xf32, #tpu.memory_space<hbm>>
      %dma_wait3A_256 = arith.constant 0 : i32
      %dma_wait3A_257 = tpu.memref_slice %arg4[%mul3A_2, %dma_wait3A_256] : memref<4608x256xf32, #tpu.memory_space<hbm>> -> memref<80x256xf32, #tpu.memory_space<hbm>>
      tpu.wait_dma2 semaphore(%run_scoped3A : memref<!tpu.dma_semaphore, #tpu.memory_space<semaphore_mem>>) src(%arg8 : memref<80x256xf32, #tpu.memory_space<vmem>>) dst(%dma_wait3A_257 : memref<80x256xf32, #tpu.memory_space<hbm>>)
      tpu.yield
    }) : () -> ()
    %add3A_248 = arith.constant 80 : i32
    %add3A_249 = arith.addi %mul3A_2, %add3A_248 : i32
    "tpu.region"() ({
      %run_scoped3A = tpu.sem_alloc : memref<!tpu.dma_semaphore, #tpu.memory_space<semaphore_mem>>
      %dma_start3A_250 = arith.constant 0 : i32
      %dma_start3A_251 = tpu.memref_slice %arg4[%add3A_249, %dma_start3A_250] : memref<4608x256xf32, #tpu.memory_space<hbm>> -> memref<64x256xf32, #tpu.memory_space<hbm>>
      %dma_start3A_252 = arith.constant 0 : i32
      %dma_start3A_253 = tpu.memref_slice %arg4[%add3A_249, %dma_start3A_252] : memref<4608x256xf32, #tpu.memory_space<hbm>> -> memref<64x256xf32, #tpu.memory_space<hbm>>
      tpu.enqueue_dma source(%arg9 : memref<64x256xf32, #tpu.memory_space<vmem>>) target(%dma_start3A_253 : memref<64x256xf32, #tpu.memory_space<hbm>>) target_semaphore(%run_scoped3A : memref<!tpu.dma_semaphore, #tpu.memory_space<semaphore_mem>>)
      %dma_wait3A_254 = arith.constant 0 : i32
      %dma_wait3A_255 = tpu.memref_slice %arg4[%add3A_249, %dma_wait3A_254] : memref<4608x256xf32, #tpu.memory_space<hbm>> -> memref<64x256xf32, #tpu.memory_space<hbm>>
      %dma_wait3A_256 = arith.constant 0 : i32
      %dma_wait3A_257 = tpu.memref_slice %arg4[%add3A_249, %dma_wait3A_256] : memref<4608x256xf32, #tpu.memory_space<hbm>> -> memref<64x256xf32, #tpu.memory_space<hbm>>
      tpu.wait_dma2 semaphore(%run_scoped3A : memref<!tpu.dma_semaphore, #tpu.memory_space<semaphore_mem>>) src(%arg9 : memref<64x256xf32, #tpu.memory_space<vmem>>) dst(%dma_wait3A_257 : memref<64x256xf32, #tpu.memory_space<hbm>>)
      tpu.yield
    }) : () -> ()
    return
  }
}

module attributes {stable_mosaic.version = 14 : i64} {
  func.func @_argmin_body(%arg0: i32, %arg1: memref<8x256x576xf32, #tpu.memory_space<vmem>>, %arg2: memref<4096x256xf32, #tpu.memory_space<vmem>>, %arg3: memref<576x8xf32, #tpu.memory_space<vmem>>, %arg4: memref<576x8xi32, #tpu.memory_space<vmem>>, %arg5: memref<8x576x256xf32, #tpu.memory_space<vmem>>) attributes {dimension_semantics = [#tpu.dimension_semantics<arbitrary>], iteration_bounds = array<i64: 2>, scalar_prefetch = 0 : i64, scratch_operands = 1 : i64, tpu.core_type = #tpu.core_type<tc>, window_params = [{pipeline_mode = #tpu.pipeline_mode<synchronous>, transform_indices = @transform_0, window_bounds = array<i64: 8, 256, 576>}, {transform_indices = @transform_1, window_bounds = array<i64: 4096, 256>}, {pipeline_mode = #tpu.pipeline_mode<synchronous>, transform_indices = @transform_2, window_bounds = array<i64: 576, 8>}, {pipeline_mode = #tpu.pipeline_mode<synchronous>, transform_indices = @transform_3, window_bounds = array<i64: 576, 8>}]} {
    %eq3A = arith.constant 0 : i32
    %eq3A_0 = arith.cmpi eq, %arg0, %eq3A : i32
    %convert_element_type3A = arith.extui %eq3A_0 : i1 to i32
    %cond3A = arith.constant 0 : i32
    %cond3A_1 = arith.cmpi ne, %convert_element_type3A, %cond3A : i32
    scf.if %cond3A_1 {
      %get3A_352 = arith.constant 0 : index
      %get3A_353 = arith.constant 0 : index
      %get3A_354 = arith.constant 0 : index
      %get3A_355 = vector.load %arg1[%get3A_352, %get3A_353, %get3A_354] : memref<8x256x576xf32, #tpu.memory_space<vmem>>, vector<1x256x576xf32>
      %get3A_356 = vector.shape_cast %get3A_355 : vector<1x256x576xf32> to vector<256x576xf32>
      %transpose3A_357 = tpu.transpose %get3A_356, [1, 0] : vector<256x576xf32> -> vector<576x256xf32>
      %mul3A_358 = arith.constant -2.000000e+00 : f32
      %mul3A_359 = vector.broadcast %mul3A_358 : f32 to vector<576x256xf32>
      %mul3A_360 = arith.mulf %mul3A_359, %transpose3A_357 : vector<576x256xf32>
      %swap3A = arith.constant 0 : index
      %swap3A_361 = arith.constant 0 : index
      %swap3A_362 = arith.constant 0 : index
      %swap3A_363 = vector.load %arg5[%swap3A, %swap3A_361, %swap3A_362] : memref<8x576x256xf32, #tpu.memory_space<vmem>>, vector<1x576x256xf32>
      %swap3A_364 = vector.shape_cast %swap3A_363 : vector<1x576x256xf32> to vector<576x256xf32>
      %swap3A_365 = vector.shape_cast %mul3A_360 : vector<576x256xf32> to vector<1x576x256xf32>
      tpu.vector_store %arg5[%swap3A, %swap3A_361, %swap3A_362], %swap3A_365 {strides = array<i32>} : memref<8x576x256xf32, #tpu.memory_space<vmem>>, vector<1x576x256xf32>,
      %get3A_366 = arith.constant 1 : index
      %get3A_367 = arith.constant 0 : index
      %get3A_368 = arith.constant 0 : index
      %get3A_369 = vector.load %arg1[%get3A_366, %get3A_367, %get3A_368] : memref<8x256x576xf32, #tpu.memory_space<vmem>>, vector<1x256x576xf32>
      %get3A_370 = vector.shape_cast %get3A_369 : vector<1x256x576xf32> to vector<256x576xf32>
      %transpose3A_371 = tpu.transpose %get3A_370, [1, 0] : vector<256x576xf32> -> vector<576x256xf32>
      %mul3A_372 = arith.constant -2.000000e+00 : f32
      %mul3A_373 = vector.broadcast %mul3A_372 : f32 to vector<576x256xf32>
      %mul3A_374 = arith.mulf %mul3A_373, %transpose3A_371 : vector<576x256xf32>
      %swap3A_375 = arith.constant 1 : index
      %swap3A_376 = arith.constant 0 : index
      %swap3A_377 = arith.constant 0 : index
      %swap3A_378 = vector.load %arg5[%swap3A_375, %swap3A_376, %swap3A_377] : memref<8x576x256xf32, #tpu.memory_space<vmem>>, vector<1x576x256xf32>
      %swap3A_379 = vector.shape_cast %swap3A_378 : vector<1x576x256xf32> to vector<576x256xf32>
      %swap3A_380 = vector.shape_cast %mul3A_374 : vector<576x256xf32> to vector<1x576x256xf32>
      tpu.vector_store %arg5[%swap3A_375, %swap3A_376, %swap3A_377], %swap3A_380 {strides = array<i32>} : memref<8x576x256xf32, #tpu.memory_space<vmem>>, vector<1x576x256xf32>,
      %get3A_381 = arith.constant 2 : index
      %get3A_382 = arith.constant 0 : index
      %get3A_383 = arith.constant 0 : index
      %get3A_384 = vector.load %arg1[%get3A_381, %get3A_382, %get3A_383] : memref<8x256x576xf32, #tpu.memory_space<vmem>>, vector<1x256x576xf32>
      %get3A_385 = vector.shape_cast %get3A_384 : vector<1x256x576xf32> to vector<256x576xf32>
      %transpose3A_386 = tpu.transpose %get3A_385, [1, 0] : vector<256x576xf32> -> vector<576x256xf32>
      %mul3A_387 = arith.constant -2.000000e+00 : f32
      %mul3A_388 = vector.broadcast %mul3A_387 : f32 to vector<576x256xf32>
      %mul3A_389 = arith.mulf %mul3A_388, %transpose3A_386 : vector<576x256xf32>
      %swap3A_390 = arith.constant 2 : index
      %swap3A_391 = arith.constant 0 : index
      %swap3A_392 = arith.constant 0 : index
      %swap3A_393 = vector.load %arg5[%swap3A_390, %swap3A_391, %swap3A_392] : memref<8x576x256xf32, #tpu.memory_space<vmem>>, vector<1x576x256xf32>
      %swap3A_394 = vector.shape_cast %swap3A_393 : vector<1x576x256xf32> to vector<576x256xf32>
      %swap3A_395 = vector.shape_cast %mul3A_389 : vector<576x256xf32> to vector<1x576x256xf32>
      tpu.vector_store %arg5[%swap3A_390, %swap3A_391, %swap3A_392], %swap3A_395 {strides = array<i32>} : memref<8x576x256xf32, #tpu.memory_space<vmem>>, vector<1x576x256xf32>,
      %get3A_396 = arith.constant 3 : index
      %get3A_397 = arith.constant 0 : index
      %get3A_398 = arith.constant 0 : index
      %get3A_399 = vector.load %arg1[%get3A_396, %get3A_397, %get3A_398] : memref<8x256x576xf32, #tpu.memory_space<vmem>>, vector<1x256x576xf32>
      %get3A_400 = vector.shape_cast %get3A_399 : vector<1x256x576xf32> to vector<256x576xf32>
      %transpose3A_401 = tpu.transpose %get3A_400, [1, 0] : vector<256x576xf32> -> vector<576x256xf32>
      %mul3A_402 = arith.constant -2.000000e+00 : f32
      %mul3A_403 = vector.broadcast %mul3A_402 : f32 to vector<576x256xf32>
      %mul3A_404 = arith.mulf %mul3A_403, %transpose3A_401 : vector<576x256xf32>
      %swap3A_405 = arith.constant 3 : index
      %swap3A_406 = arith.constant 0 : index
      %swap3A_407 = arith.constant 0 : index
      %swap3A_408 = vector.load %arg5[%swap3A_405, %swap3A_406, %swap3A_407] : memref<8x576x256xf32, #tpu.memory_space<vmem>>, vector<1x576x256xf32>
      %swap3A_409 = vector.shape_cast %swap3A_408 : vector<1x576x256xf32> to vector<576x256xf32>
      %swap3A_410 = vector.shape_cast %mul3A_404 : vector<576x256xf32> to vector<1x576x256xf32>
      tpu.vector_store %arg5[%swap3A_405, %swap3A_406, %swap3A_407], %swap3A_410 {strides = array<i32>} : memref<8x576x256xf32, #tpu.memory_space<vmem>>, vector<1x576x256xf32>,
      %get3A_411 = arith.constant 4 : index
      %get3A_412 = arith.constant 0 : index
      %get3A_413 = arith.constant 0 : index
      %get3A_414 = vector.load %arg1[%get3A_411, %get3A_412, %get3A_413] : memref<8x256x576xf32, #tpu.memory_space<vmem>>, vector<1x256x576xf32>
      %get3A_415 = vector.shape_cast %get3A_414 : vector<1x256x576xf32> to vector<256x576xf32>
      %transpose3A_416 = tpu.transpose %get3A_415, [1, 0] : vector<256x576xf32> -> vector<576x256xf32>
      %mul3A_417 = arith.constant -2.000000e+00 : f32
      %mul3A_418 = vector.broadcast %mul3A_417 : f32 to vector<576x256xf32>
      %mul3A_419 = arith.mulf %mul3A_418, %transpose3A_416 : vector<576x256xf32>
      %swap3A_420 = arith.constant 4 : index
      %swap3A_421 = arith.constant 0 : index
      %swap3A_422 = arith.constant 0 : index
      %swap3A_423 = vector.load %arg5[%swap3A_420, %swap3A_421, %swap3A_422] : memref<8x576x256xf32, #tpu.memory_space<vmem>>, vector<1x576x256xf32>
      %swap3A_424 = vector.shape_cast %swap3A_423 : vector<1x576x256xf32> to vector<576x256xf32>
      %swap3A_425 = vector.shape_cast %mul3A_419 : vector<576x256xf32> to vector<1x576x256xf32>
      tpu.vector_store %arg5[%swap3A_420, %swap3A_421, %swap3A_422], %swap3A_425 {strides = array<i32>} : memref<8x576x256xf32, #tpu.memory_space<vmem>>, vector<1x576x256xf32>,
      %get3A_426 = arith.constant 5 : index
      %get3A_427 = arith.constant 0 : index
      %get3A_428 = arith.constant 0 : index
      %get3A_429 = vector.load %arg1[%get3A_426, %get3A_427, %get3A_428] : memref<8x256x576xf32, #tpu.memory_space<vmem>>, vector<1x256x576xf32>
      %get3A_430 = vector.shape_cast %get3A_429 : vector<1x256x576xf32> to vector<256x576xf32>
      %transpose3A_431 = tpu.transpose %get3A_430, [1, 0] : vector<256x576xf32> -> vector<576x256xf32>
      %mul3A_432 = arith.constant -2.000000e+00 : f32
      %mul3A_433 = vector.broadcast %mul3A_432 : f32 to vector<576x256xf32>
      %mul3A_434 = arith.mulf %mul3A_433, %transpose3A_431 : vector<576x256xf32>
      %swap3A_435 = arith.constant 5 : index
      %swap3A_436 = arith.constant 0 : index
      %swap3A_437 = arith.constant 0 : index
      %swap3A_438 = vector.load %arg5[%swap3A_435, %swap3A_436, %swap3A_437] : memref<8x576x256xf32, #tpu.memory_space<vmem>>, vector<1x576x256xf32>
      %swap3A_439 = vector.shape_cast %swap3A_438 : vector<1x576x256xf32> to vector<576x256xf32>
      %swap3A_440 = vector.shape_cast %mul3A_434 : vector<576x256xf32> to vector<1x576x256xf32>
      tpu.vector_store %arg5[%swap3A_435, %swap3A_436, %swap3A_437], %swap3A_440 {strides = array<i32>} : memref<8x576x256xf32, #tpu.memory_space<vmem>>, vector<1x576x256xf32>,
      %get3A_441 = arith.constant 6 : index
      %get3A_442 = arith.constant 0 : index
      %get3A_443 = arith.constant 0 : index
      %get3A_444 = vector.load %arg1[%get3A_441, %get3A_442, %get3A_443] : memref<8x256x576xf32, #tpu.memory_space<vmem>>, vector<1x256x576xf32>
      %get3A_445 = vector.shape_cast %get3A_444 : vector<1x256x576xf32> to vector<256x576xf32>
      %transpose3A_446 = tpu.transpose %get3A_445, [1, 0] : vector<256x576xf32> -> vector<576x256xf32>
      %mul3A_447 = arith.constant -2.000000e+00 : f32
      %mul3A_448 = vector.broadcast %mul3A_447 : f32 to vector<576x256xf32>
      %mul3A_449 = arith.mulf %mul3A_448, %transpose3A_446 : vector<576x256xf32>
      %swap3A_450 = arith.constant 6 : index
      %swap3A_451 = arith.constant 0 : index
      %swap3A_452 = arith.constant 0 : index
      %swap3A_453 = vector.load %arg5[%swap3A_450, %swap3A_451, %swap3A_452] : memref<8x576x256xf32, #tpu.memory_space<vmem>>, vector<1x576x256xf32>
      %swap3A_454 = vector.shape_cast %swap3A_453 : vector<1x576x256xf32> to vector<576x256xf32>
      %swap3A_455 = vector.shape_cast %mul3A_449 : vector<576x256xf32> to vector<1x576x256xf32>
      tpu.vector_store %arg5[%swap3A_450, %swap3A_451, %swap3A_452], %swap3A_455 {strides = array<i32>} : memref<8x576x256xf32, #tpu.memory_space<vmem>>, vector<1x576x256xf32>,
      %get3A_456 = arith.constant 7 : index
      %get3A_457 = arith.constant 0 : index
      %get3A_458 = arith.constant 0 : index
      %get3A_459 = vector.load %arg1[%get3A_456, %get3A_457, %get3A_458] : memref<8x256x576xf32, #tpu.memory_space<vmem>>, vector<1x256x576xf32>
      %get3A_460 = vector.shape_cast %get3A_459 : vector<1x256x576xf32> to vector<256x576xf32>
      %transpose3A_461 = tpu.transpose %get3A_460, [1, 0] : vector<256x576xf32> -> vector<576x256xf32>
      %mul3A_462 = arith.constant -2.000000e+00 : f32
      %mul3A_463 = vector.broadcast %mul3A_462 : f32 to vector<576x256xf32>
      %mul3A_464 = arith.mulf %mul3A_463, %transpose3A_461 : vector<576x256xf32>
      %swap3A_465 = arith.constant 7 : index
      %swap3A_466 = arith.constant 0 : index
      %swap3A_467 = arith.constant 0 : index
      %swap3A_468 = vector.load %arg5[%swap3A_465, %swap3A_466, %swap3A_467] : memref<8x576x256xf32, #tpu.memory_space<vmem>>, vector<1x576x256xf32>
      %swap3A_469 = vector.shape_cast %swap3A_468 : vector<1x576x256xf32> to vector<576x256xf32>
      %swap3A_470 = vector.shape_cast %mul3A_464 : vector<576x256xf32> to vector<1x576x256xf32>
      tpu.vector_store %arg5[%swap3A_465, %swap3A_466, %swap3A_467], %swap3A_470 {strides = array<i32>} : memref<8x576x256xf32, #tpu.memory_space<vmem>>, vector<1x576x256xf32>,
    } else {
    }
    %get3A = arith.constant 0 : index
    %get3A_2 = arith.constant 0 : index
    %get3A_3 = vector.load %arg2[%get3A, %get3A_2] : memref<4096x256xf32, #tpu.memory_space<vmem>>, vector<4096x256xf32>
    %mul3A = arith.mulf %get3A_3, %get3A_3 : vector<4096x256xf32>
    %reduce_sum3A = arith.constant dense<0.000000e+00> : vector<4096xf32>
    %reduce_sum3A_4 = vector.multi_reduction <add>, %mul3A, %reduce_sum3A [1] : vector<4096x256xf32> to vector<4096xf32>
    %broadcast_in_dim3A = vector.shape_cast %reduce_sum3A_4 : vector<4096xf32> to vector<4096x1xf32>
    %transpose3A = tpu.transpose %broadcast_in_dim3A, [1, 0] : vector<4096x1xf32> -> vector<1x4096xf32>
    %iota3A = tpu.iota {dimensions = array<i32: 1>} : vector<576x4096xi32>
    %convert_element_type3A_5 = arith.sitofp %iota3A : vector<576x4096xi32> to vector<576x4096xf32>
    %get3A_6 = arith.constant 0 : index
    %get3A_7 = arith.constant 0 : index
    %get3A_8 = arith.constant 0 : index
    %get3A_9 = vector.load %arg5[%get3A_6, %get3A_7, %get3A_8] : memref<8x576x256xf32, #tpu.memory_space<vmem>>, vector<1x576x256xf32>
    %get3A_10 = vector.shape_cast %get3A_9 : vector<1x576x256xf32> to vector<576x256xf32>
    %mul3A_11 = arith.mulf %get3A_10, %get3A_10 : vector<576x256xf32>
    %reduce_sum3A_12 = arith.constant dense<0.000000e+00> : vector<576xf32>
    %reduce_sum3A_13 = vector.multi_reduction <add>, %mul3A_11, %reduce_sum3A_12 [1] : vector<576x256xf32> to vector<576xf32>
    %broadcast_in_dim3A_14 = vector.shape_cast %reduce_sum3A_13 : vector<576xf32> to vector<576x1xf32>
    %mul3A_15 = arith.constant 2.500000e-01 : f32
    %mul3A_16 = vector.broadcast %mul3A_15 : f32 to vector<576x1xf32>
    %mul3A_17 = arith.mulf %mul3A_16, %broadcast_in_dim3A_14 : vector<576x1xf32>
    %dot_general3A = arith.constant dense<0.000000e+00> : vector<576x4096xf32>
    %dot_general3A_18 = tpu.matmul %get3A_10, %get3A_3, %dot_general3A {dimension_numbers = #tpu.dot_dimension_numbers<[1], [1], [0], [0], [0, 0, 1, 0], [], []>, transpose_lhs_hint = false} : vector<576x256xf32>, vector<4096x256xf32>, vector<576x4096xf32> -> vector<576x4096xf32>
    %add3A = vector.broadcast %mul3A_17 : vector<576x1xf32> to vector<576x4096xf32>
    %add3A_19 = vector.broadcast %transpose3A : vector<1x4096xf32> to vector<576x4096xf32>
    %add3A_20 = arith.addf %add3A, %add3A_19 : vector<576x4096xf32>
    %add3A_21 = arith.addf %add3A_20, %dot_general3A_18 : vector<576x4096xf32>
    %reduce_min3A = arith.constant dense<0x7F800000> : vector<576xf32>
    %reduce_min3A_22 = vector.multi_reduction <minimumf>, %add3A_21, %reduce_min3A [1] : vector<576x4096xf32> to vector<576xf32>
    %broadcast_in_dim3A_23 = vector.shape_cast %reduce_min3A_22 : vector<576xf32> to vector<576x1xf32>
    %eq3A_24 = vector.broadcast %broadcast_in_dim3A_23 : vector<576x1xf32> to vector<576x4096xf32>
    %eq3A_25 = arith.cmpf oeq, %add3A_21, %eq3A_24 : vector<576x4096xf32>
    %jit3A = arith.constant 1.000000e+09 : f32
    %broadcast_in_dim3A_26 = vector.broadcast %jit3A : f32 to vector<576x4096xf32>
    %select_n3A = arith.select %eq3A_25, %convert_element_type3A_5, %broadcast_in_dim3A_26 : vector<576x4096xi1>, vector<576x4096xf32>
    %reduce_min3A_27 = arith.constant dense<0x7F800000> : vector<576xf32>
    %reduce_min3A_28 = vector.multi_reduction <minimumf>, %select_n3A, %reduce_min3A_27 [1] : vector<576x4096xf32> to vector<576xf32>
    %broadcast_in_dim3A_29 = vector.shape_cast %reduce_min3A_28 : vector<576xf32> to vector<576x1xf32>
    %convert_element_type3A_30 = arith.fptosi %broadcast_in_dim3A_29 : vector<576x1xf32> to vector<576x1xi32>
    %mul3A_31 = arith.constant 4096 : i32
    %mul3A_32 = arith.muli %arg0, %mul3A_31 : i32
    %add3A_33 = vector.broadcast %mul3A_32 : i32 to vector<576x1xi32>
    %add3A_34 = arith.addi %convert_element_type3A_30, %add3A_33 : vector<576x1xi32>
    %eq3A_35 = arith.constant 0 : i32
    %eq3A_36 = arith.cmpi eq, %arg0, %eq3A_35 : i32
    %convert_element_type3A_37 = arith.extui %eq3A_36 : i1 to i32
    %cond3A_38 = arith.constant 0 : i32
    %cond3A_39 = arith.cmpi ne, %convert_element_type3A_37, %cond3A_38 : i32
    scf.if %cond3A_39 {
      %swap3A = arith.constant 0 : index
      %swap3A_352 = arith.constant 0 : index
      %swap3A_353 = vector.load %arg3[%swap3A, %swap3A_352] : memref<576x8xf32, #tpu.memory_space<vmem>>, vector<576x1xf32>
      tpu.vector_store %arg3[%swap3A, %swap3A_352], %broadcast_in_dim3A_23 {strides = array<i32>} : memref<576x8xf32, #tpu.memory_space<vmem>>, vector<576x1xf32>,
      %swap3A_354 = arith.constant 0 : index
      %swap3A_355 = arith.constant 0 : index
      %swap3A_356 = vector.load %arg4[%swap3A_354, %swap3A_355] : memref<576x8xi32, #tpu.memory_space<vmem>>, vector<576x1xi32>
      tpu.vector_store %arg4[%swap3A_354, %swap3A_355], %add3A_34 {strides = array<i32>} : memref<576x8xi32, #tpu.memory_space<vmem>>, vector<576x1xi32>,
    } else {
    }
    %ne3A = arith.constant 0 : i32
    %ne3A_40 = arith.cmpi ne, %arg0, %ne3A : i32
    %convert_element_type3A_41 = arith.extui %ne3A_40 : i1 to i32
    %cond3A_42 = arith.constant 0 : i32
    %cond3A_43 = arith.cmpi ne, %convert_element_type3A_41, %cond3A_42 : i32
    scf.if %cond3A_43 {
      %get3A_352 = arith.constant 0 : index
      %get3A_353 = arith.constant 0 : index
      %get3A_354 = vector.load %arg3[%get3A_352, %get3A_353] : memref<576x8xf32, #tpu.memory_space<vmem>>, vector<576x1xf32>
      %lt3A = arith.cmpf olt, %broadcast_in_dim3A_23, %get3A_354 : vector<576x1xf32>
      %select_n3A_355 = arith.select %lt3A, %broadcast_in_dim3A_23, %get3A_354 : vector<576x1xi1>, vector<576x1xf32>
      %swap3A = arith.constant 0 : index
      %swap3A_356 = arith.constant 0 : index
      %swap3A_357 = vector.load %arg3[%swap3A, %swap3A_356] : memref<576x8xf32, #tpu.memory_space<vmem>>, vector<576x1xf32>
      tpu.vector_store %arg3[%swap3A, %swap3A_356], %select_n3A_355 {strides = array<i32>} : memref<576x8xf32, #tpu.memory_space<vmem>>, vector<576x1xf32>,
      %get3A_358 = arith.constant 0 : index
      %get3A_359 = arith.constant 0 : index
      %get3A_360 = vector.load %arg4[%get3A_358, %get3A_359] : memref<576x8xi32, #tpu.memory_space<vmem>>, vector<576x1xi32>
      %select_n3A_361 = arith.select %lt3A, %add3A_34, %get3A_360 : vector<576x1xi1>, vector<576x1xi32>
      %swap3A_362 = arith.constant 0 : index
      %swap3A_363 = arith.constant 0 : index
      %swap3A_364 = vector.load %arg4[%swap3A_362, %swap3A_363] : memref<576x8xi32, #tpu.memory_space<vmem>>, vector<576x1xi32>
      tpu.vector_store %arg4[%swap3A_362, %swap3A_363], %select_n3A_361 {strides = array<i32>} : memref<576x8xi32, #tpu.memory_space<vmem>>, vector<576x1xi32>,
    } else {
    }
    %get3A_44 = arith.constant 1 : index
    %get3A_45 = arith.constant 0 : index
    %get3A_46 = arith.constant 0 : index
    %get3A_47 = vector.load %arg5[%get3A_44, %get3A_45, %get3A_46] : memref<8x576x256xf32, #tpu.memory_space<vmem>>, vector<1x576x256xf32>
    %get3A_48 = vector.shape_cast %get3A_47 : vector<1x576x256xf32> to vector<576x256xf32>
    %mul3A_49 = arith.mulf %get3A_48, %get3A_48 : vector<576x256xf32>
    %reduce_sum3A_50 = arith.constant dense<0.000000e+00> : vector<576xf32>
    %reduce_sum3A_51 = vector.multi_reduction <add>, %mul3A_49, %reduce_sum3A_50 [1] : vector<576x256xf32> to vector<576xf32>
    %broadcast_in_dim3A_52 = vector.shape_cast %reduce_sum3A_51 : vector<576xf32> to vector<576x1xf32>
    %mul3A_53 = arith.constant 2.500000e-01 : f32
    %mul3A_54 = vector.broadcast %mul3A_53 : f32 to vector<576x1xf32>
    %mul3A_55 = arith.mulf %mul3A_54, %broadcast_in_dim3A_52 : vector<576x1xf32>
    %dot_general3A_56 = arith.constant dense<0.000000e+00> : vector<576x4096xf32>
    %dot_general3A_57 = tpu.matmul %get3A_48, %get3A_3, %dot_general3A_56 {dimension_numbers = #tpu.dot_dimension_numbers<[1], [1], [0], [0], [0, 0, 1, 0], [], []>, transpose_lhs_hint = false} : vector<576x256xf32>, vector<4096x256xf32>, vector<576x4096xf32> -> vector<576x4096xf32>
    %add3A_58 = vector.broadcast %mul3A_55 : vector<576x1xf32> to vector<576x4096xf32>
    %add3A_59 = vector.broadcast %transpose3A : vector<1x4096xf32> to vector<576x4096xf32>
    %add3A_60 = arith.addf %add3A_58, %add3A_59 : vector<576x4096xf32>
    %add3A_61 = arith.addf %add3A_60, %dot_general3A_57 : vector<576x4096xf32>
    %reduce_min3A_62 = arith.constant dense<0x7F800000> : vector<576xf32>
    %reduce_min3A_63 = vector.multi_reduction <minimumf>, %add3A_61, %reduce_min3A_62 [1] : vector<576x4096xf32> to vector<576xf32>
    %broadcast_in_dim3A_64 = vector.shape_cast %reduce_min3A_63 : vector<576xf32> to vector<576x1xf32>
    %eq3A_65 = vector.broadcast %broadcast_in_dim3A_64 : vector<576x1xf32> to vector<576x4096xf32>
    %eq3A_66 = arith.cmpf oeq, %add3A_61, %eq3A_65 : vector<576x4096xf32>
    %jit3A_67 = arith.constant 1.000000e+09 : f32
    %broadcast_in_dim3A_68 = vector.broadcast %jit3A_67 : f32 to vector<576x4096xf32>
    %select_n3A_69 = arith.select %eq3A_66, %convert_element_type3A_5, %broadcast_in_dim3A_68 : vector<576x4096xi1>, vector<576x4096xf32>
    %reduce_min3A_70 = arith.constant dense<0x7F800000> : vector<576xf32>
    %reduce_min3A_71 = vector.multi_reduction <minimumf>, %select_n3A_69, %reduce_min3A_70 [1] : vector<576x4096xf32> to vector<576xf32>
    %broadcast_in_dim3A_72 = vector.shape_cast %reduce_min3A_71 : vector<576xf32> to vector<576x1xf32>
    %convert_element_type3A_73 = arith.fptosi %broadcast_in_dim3A_72 : vector<576x1xf32> to vector<576x1xi32>
    %mul3A_74 = arith.constant 4096 : i32
    %mul3A_75 = arith.muli %arg0, %mul3A_74 : i32
    %add3A_76 = vector.broadcast %mul3A_75 : i32 to vector<576x1xi32>
    %add3A_77 = arith.addi %convert_element_type3A_73, %add3A_76 : vector<576x1xi32>
    %eq3A_78 = arith.constant 0 : i32
    %eq3A_79 = arith.cmpi eq, %arg0, %eq3A_78 : i32
    %convert_element_type3A_80 = arith.extui %eq3A_79 : i1 to i32
    %cond3A_81 = arith.constant 0 : i32
    %cond3A_82 = arith.cmpi ne, %convert_element_type3A_80, %cond3A_81 : i32
    scf.if %cond3A_82 {
      %swap3A = arith.constant 0 : index
      %swap3A_352 = arith.constant 1 : index
      %swap3A_353 = vector.load %arg3[%swap3A, %swap3A_352] : memref<576x8xf32, #tpu.memory_space<vmem>>, vector<576x1xf32>
      tpu.vector_store %arg3[%swap3A, %swap3A_352], %broadcast_in_dim3A_64 {strides = array<i32>} : memref<576x8xf32, #tpu.memory_space<vmem>>, vector<576x1xf32>,
      %swap3A_354 = arith.constant 0 : index
      %swap3A_355 = arith.constant 1 : index
      %swap3A_356 = vector.load %arg4[%swap3A_354, %swap3A_355] : memref<576x8xi32, #tpu.memory_space<vmem>>, vector<576x1xi32>
      tpu.vector_store %arg4[%swap3A_354, %swap3A_355], %add3A_77 {strides = array<i32>} : memref<576x8xi32, #tpu.memory_space<vmem>>, vector<576x1xi32>,
    } else {
    }
    %ne3A_83 = arith.constant 0 : i32
    %ne3A_84 = arith.cmpi ne, %arg0, %ne3A_83 : i32
    %convert_element_type3A_85 = arith.extui %ne3A_84 : i1 to i32
    %cond3A_86 = arith.constant 0 : i32
    %cond3A_87 = arith.cmpi ne, %convert_element_type3A_85, %cond3A_86 : i32
    scf.if %cond3A_87 {
      %get3A_352 = arith.constant 0 : index
      %get3A_353 = arith.constant 1 : index
      %get3A_354 = vector.load %arg3[%get3A_352, %get3A_353] : memref<576x8xf32, #tpu.memory_space<vmem>>, vector<576x1xf32>
      %lt3A = arith.cmpf olt, %broadcast_in_dim3A_64, %get3A_354 : vector<576x1xf32>
      %select_n3A_355 = arith.select %lt3A, %broadcast_in_dim3A_64, %get3A_354 : vector<576x1xi1>, vector<576x1xf32>
      %swap3A = arith.constant 0 : index
      %swap3A_356 = arith.constant 1 : index
      %swap3A_357 = vector.load %arg3[%swap3A, %swap3A_356] : memref<576x8xf32, #tpu.memory_space<vmem>>, vector<576x1xf32>
      tpu.vector_store %arg3[%swap3A, %swap3A_356], %select_n3A_355 {strides = array<i32>} : memref<576x8xf32, #tpu.memory_space<vmem>>, vector<576x1xf32>,
      %get3A_358 = arith.constant 0 : index
      %get3A_359 = arith.constant 1 : index
      %get3A_360 = vector.load %arg4[%get3A_358, %get3A_359] : memref<576x8xi32, #tpu.memory_space<vmem>>, vector<576x1xi32>
      %select_n3A_361 = arith.select %lt3A, %add3A_77, %get3A_360 : vector<576x1xi1>, vector<576x1xi32>
      %swap3A_362 = arith.constant 0 : index
      %swap3A_363 = arith.constant 1 : index
      %swap3A_364 = vector.load %arg4[%swap3A_362, %swap3A_363] : memref<576x8xi32, #tpu.memory_space<vmem>>, vector<576x1xi32>
      tpu.vector_store %arg4[%swap3A_362, %swap3A_363], %select_n3A_361 {strides = array<i32>} : memref<576x8xi32, #tpu.memory_space<vmem>>, vector<576x1xi32>,
    } else {
    }
    %get3A_88 = arith.constant 2 : index
    %get3A_89 = arith.constant 0 : index
    %get3A_90 = arith.constant 0 : index
    %get3A_91 = vector.load %arg5[%get3A_88, %get3A_89, %get3A_90] : memref<8x576x256xf32, #tpu.memory_space<vmem>>, vector<1x576x256xf32>
    %get3A_92 = vector.shape_cast %get3A_91 : vector<1x576x256xf32> to vector<576x256xf32>
    %mul3A_93 = arith.mulf %get3A_92, %get3A_92 : vector<576x256xf32>
    %reduce_sum3A_94 = arith.constant dense<0.000000e+00> : vector<576xf32>
    %reduce_sum3A_95 = vector.multi_reduction <add>, %mul3A_93, %reduce_sum3A_94 [1] : vector<576x256xf32> to vector<576xf32>
    %broadcast_in_dim3A_96 = vector.shape_cast %reduce_sum3A_95 : vector<576xf32> to vector<576x1xf32>
    %mul3A_97 = arith.constant 2.500000e-01 : f32
    %mul3A_98 = vector.broadcast %mul3A_97 : f32 to vector<576x1xf32>
    %mul3A_99 = arith.mulf %mul3A_98, %broadcast_in_dim3A_96 : vector<576x1xf32>
    %dot_general3A_100 = arith.constant dense<0.000000e+00> : vector<576x4096xf32>
    %dot_general3A_101 = tpu.matmul %get3A_92, %get3A_3, %dot_general3A_100 {dimension_numbers = #tpu.dot_dimension_numbers<[1], [1], [0], [0], [0, 0, 1, 0], [], []>, transpose_lhs_hint = false} : vector<576x256xf32>, vector<4096x256xf32>, vector<576x4096xf32> -> vector<576x4096xf32>
    %add3A_102 = vector.broadcast %mul3A_99 : vector<576x1xf32> to vector<576x4096xf32>
    %add3A_103 = vector.broadcast %transpose3A : vector<1x4096xf32> to vector<576x4096xf32>
    %add3A_104 = arith.addf %add3A_102, %add3A_103 : vector<576x4096xf32>
    %add3A_105 = arith.addf %add3A_104, %dot_general3A_101 : vector<576x4096xf32>
    %reduce_min3A_106 = arith.constant dense<0x7F800000> : vector<576xf32>
    %reduce_min3A_107 = vector.multi_reduction <minimumf>, %add3A_105, %reduce_min3A_106 [1] : vector<576x4096xf32> to vector<576xf32>
    %broadcast_in_dim3A_108 = vector.shape_cast %reduce_min3A_107 : vector<576xf32> to vector<576x1xf32>
    %eq3A_109 = vector.broadcast %broadcast_in_dim3A_108 : vector<576x1xf32> to vector<576x4096xf32>
    %eq3A_110 = arith.cmpf oeq, %add3A_105, %eq3A_109 : vector<576x4096xf32>
    %jit3A_111 = arith.constant 1.000000e+09 : f32
    %broadcast_in_dim3A_112 = vector.broadcast %jit3A_111 : f32 to vector<576x4096xf32>
    %select_n3A_113 = arith.select %eq3A_110, %convert_element_type3A_5, %broadcast_in_dim3A_112 : vector<576x4096xi1>, vector<576x4096xf32>
    %reduce_min3A_114 = arith.constant dense<0x7F800000> : vector<576xf32>
    %reduce_min3A_115 = vector.multi_reduction <minimumf>, %select_n3A_113, %reduce_min3A_114 [1] : vector<576x4096xf32> to vector<576xf32>
    %broadcast_in_dim3A_116 = vector.shape_cast %reduce_min3A_115 : vector<576xf32> to vector<576x1xf32>
    %convert_element_type3A_117 = arith.fptosi %broadcast_in_dim3A_116 : vector<576x1xf32> to vector<576x1xi32>
    %mul3A_118 = arith.constant 4096 : i32
    %mul3A_119 = arith.muli %arg0, %mul3A_118 : i32
    %add3A_120 = vector.broadcast %mul3A_119 : i32 to vector<576x1xi32>
    %add3A_121 = arith.addi %convert_element_type3A_117, %add3A_120 : vector<576x1xi32>
    %eq3A_122 = arith.constant 0 : i32
    %eq3A_123 = arith.cmpi eq, %arg0, %eq3A_122 : i32
    %convert_element_type3A_124 = arith.extui %eq3A_123 : i1 to i32
    %cond3A_125 = arith.constant 0 : i32
    %cond3A_126 = arith.cmpi ne, %convert_element_type3A_124, %cond3A_125 : i32
    scf.if %cond3A_126 {
      %swap3A = arith.constant 0 : index
      %swap3A_352 = arith.constant 2 : index
      %swap3A_353 = vector.load %arg3[%swap3A, %swap3A_352] : memref<576x8xf32, #tpu.memory_space<vmem>>, vector<576x1xf32>
      tpu.vector_store %arg3[%swap3A, %swap3A_352], %broadcast_in_dim3A_108 {strides = array<i32>} : memref<576x8xf32, #tpu.memory_space<vmem>>, vector<576x1xf32>,
      %swap3A_354 = arith.constant 0 : index
      %swap3A_355 = arith.constant 2 : index
      %swap3A_356 = vector.load %arg4[%swap3A_354, %swap3A_355] : memref<576x8xi32, #tpu.memory_space<vmem>>, vector<576x1xi32>
      tpu.vector_store %arg4[%swap3A_354, %swap3A_355], %add3A_121 {strides = array<i32>} : memref<576x8xi32, #tpu.memory_space<vmem>>, vector<576x1xi32>,
    } else {
    }
    %ne3A_127 = arith.constant 0 : i32
    %ne3A_128 = arith.cmpi ne, %arg0, %ne3A_127 : i32
    %convert_element_type3A_129 = arith.extui %ne3A_128 : i1 to i32
    %cond3A_130 = arith.constant 0 : i32
    %cond3A_131 = arith.cmpi ne, %convert_element_type3A_129, %cond3A_130 : i32
    scf.if %cond3A_131 {
      %get3A_352 = arith.constant 0 : index
      %get3A_353 = arith.constant 2 : index
      %get3A_354 = vector.load %arg3[%get3A_352, %get3A_353] : memref<576x8xf32, #tpu.memory_space<vmem>>, vector<576x1xf32>
      %lt3A = arith.cmpf olt, %broadcast_in_dim3A_108, %get3A_354 : vector<576x1xf32>
      %select_n3A_355 = arith.select %lt3A, %broadcast_in_dim3A_108, %get3A_354 : vector<576x1xi1>, vector<576x1xf32>
      %swap3A = arith.constant 0 : index
      %swap3A_356 = arith.constant 2 : index
      %swap3A_357 = vector.load %arg3[%swap3A, %swap3A_356] : memref<576x8xf32, #tpu.memory_space<vmem>>, vector<576x1xf32>
      tpu.vector_store %arg3[%swap3A, %swap3A_356], %select_n3A_355 {strides = array<i32>} : memref<576x8xf32, #tpu.memory_space<vmem>>, vector<576x1xf32>,
      %get3A_358 = arith.constant 0 : index
      %get3A_359 = arith.constant 2 : index
      %get3A_360 = vector.load %arg4[%get3A_358, %get3A_359] : memref<576x8xi32, #tpu.memory_space<vmem>>, vector<576x1xi32>
      %select_n3A_361 = arith.select %lt3A, %add3A_121, %get3A_360 : vector<576x1xi1>, vector<576x1xi32>
      %swap3A_362 = arith.constant 0 : index
      %swap3A_363 = arith.constant 2 : index
      %swap3A_364 = vector.load %arg4[%swap3A_362, %swap3A_363] : memref<576x8xi32, #tpu.memory_space<vmem>>, vector<576x1xi32>
      tpu.vector_store %arg4[%swap3A_362, %swap3A_363], %select_n3A_361 {strides = array<i32>} : memref<576x8xi32, #tpu.memory_space<vmem>>, vector<576x1xi32>,
    } else {
    }
    %get3A_132 = arith.constant 3 : index
    %get3A_133 = arith.constant 0 : index
    %get3A_134 = arith.constant 0 : index
    %get3A_135 = vector.load %arg5[%get3A_132, %get3A_133, %get3A_134] : memref<8x576x256xf32, #tpu.memory_space<vmem>>, vector<1x576x256xf32>
    %get3A_136 = vector.shape_cast %get3A_135 : vector<1x576x256xf32> to vector<576x256xf32>
    %mul3A_137 = arith.mulf %get3A_136, %get3A_136 : vector<576x256xf32>
    %reduce_sum3A_138 = arith.constant dense<0.000000e+00> : vector<576xf32>
    %reduce_sum3A_139 = vector.multi_reduction <add>, %mul3A_137, %reduce_sum3A_138 [1] : vector<576x256xf32> to vector<576xf32>
    %broadcast_in_dim3A_140 = vector.shape_cast %reduce_sum3A_139 : vector<576xf32> to vector<576x1xf32>
    %mul3A_141 = arith.constant 2.500000e-01 : f32
    %mul3A_142 = vector.broadcast %mul3A_141 : f32 to vector<576x1xf32>
    %mul3A_143 = arith.mulf %mul3A_142, %broadcast_in_dim3A_140 : vector<576x1xf32>
    %dot_general3A_144 = arith.constant dense<0.000000e+00> : vector<576x4096xf32>
    %dot_general3A_145 = tpu.matmul %get3A_136, %get3A_3, %dot_general3A_144 {dimension_numbers = #tpu.dot_dimension_numbers<[1], [1], [0], [0], [0, 0, 1, 0], [], []>, transpose_lhs_hint = false} : vector<576x256xf32>, vector<4096x256xf32>, vector<576x4096xf32> -> vector<576x4096xf32>
    %add3A_146 = vector.broadcast %mul3A_143 : vector<576x1xf32> to vector<576x4096xf32>
    %add3A_147 = vector.broadcast %transpose3A : vector<1x4096xf32> to vector<576x4096xf32>
    %add3A_148 = arith.addf %add3A_146, %add3A_147 : vector<576x4096xf32>
    %add3A_149 = arith.addf %add3A_148, %dot_general3A_145 : vector<576x4096xf32>
    %reduce_min3A_150 = arith.constant dense<0x7F800000> : vector<576xf32>
    %reduce_min3A_151 = vector.multi_reduction <minimumf>, %add3A_149, %reduce_min3A_150 [1] : vector<576x4096xf32> to vector<576xf32>
    %broadcast_in_dim3A_152 = vector.shape_cast %reduce_min3A_151 : vector<576xf32> to vector<576x1xf32>
    %eq3A_153 = vector.broadcast %broadcast_in_dim3A_152 : vector<576x1xf32> to vector<576x4096xf32>
    %eq3A_154 = arith.cmpf oeq, %add3A_149, %eq3A_153 : vector<576x4096xf32>
    %jit3A_155 = arith.constant 1.000000e+09 : f32
    %broadcast_in_dim3A_156 = vector.broadcast %jit3A_155 : f32 to vector<576x4096xf32>
    %select_n3A_157 = arith.select %eq3A_154, %convert_element_type3A_5, %broadcast_in_dim3A_156 : vector<576x4096xi1>, vector<576x4096xf32>
    %reduce_min3A_158 = arith.constant dense<0x7F800000> : vector<576xf32>
    %reduce_min3A_159 = vector.multi_reduction <minimumf>, %select_n3A_157, %reduce_min3A_158 [1] : vector<576x4096xf32> to vector<576xf32>
    %broadcast_in_dim3A_160 = vector.shape_cast %reduce_min3A_159 : vector<576xf32> to vector<576x1xf32>
    %convert_element_type3A_161 = arith.fptosi %broadcast_in_dim3A_160 : vector<576x1xf32> to vector<576x1xi32>
    %mul3A_162 = arith.constant 4096 : i32
    %mul3A_163 = arith.muli %arg0, %mul3A_162 : i32
    %add3A_164 = vector.broadcast %mul3A_163 : i32 to vector<576x1xi32>
    %add3A_165 = arith.addi %convert_element_type3A_161, %add3A_164 : vector<576x1xi32>
    %eq3A_166 = arith.constant 0 : i32
    %eq3A_167 = arith.cmpi eq, %arg0, %eq3A_166 : i32
    %convert_element_type3A_168 = arith.extui %eq3A_167 : i1 to i32
    %cond3A_169 = arith.constant 0 : i32
    %cond3A_170 = arith.cmpi ne, %convert_element_type3A_168, %cond3A_169 : i32
    scf.if %cond3A_170 {
      %swap3A = arith.constant 0 : index
      %swap3A_352 = arith.constant 3 : index
      %swap3A_353 = vector.load %arg3[%swap3A, %swap3A_352] : memref<576x8xf32, #tpu.memory_space<vmem>>, vector<576x1xf32>
      tpu.vector_store %arg3[%swap3A, %swap3A_352], %broadcast_in_dim3A_152 {strides = array<i32>} : memref<576x8xf32, #tpu.memory_space<vmem>>, vector<576x1xf32>,
      %swap3A_354 = arith.constant 0 : index
      %swap3A_355 = arith.constant 3 : index
      %swap3A_356 = vector.load %arg4[%swap3A_354, %swap3A_355] : memref<576x8xi32, #tpu.memory_space<vmem>>, vector<576x1xi32>
      tpu.vector_store %arg4[%swap3A_354, %swap3A_355], %add3A_165 {strides = array<i32>} : memref<576x8xi32, #tpu.memory_space<vmem>>, vector<576x1xi32>,
    } else {
    }
    %ne3A_171 = arith.constant 0 : i32
    %ne3A_172 = arith.cmpi ne, %arg0, %ne3A_171 : i32
    %convert_element_type3A_173 = arith.extui %ne3A_172 : i1 to i32
    %cond3A_174 = arith.constant 0 : i32
    %cond3A_175 = arith.cmpi ne, %convert_element_type3A_173, %cond3A_174 : i32
    scf.if %cond3A_175 {
      %get3A_352 = arith.constant 0 : index
      %get3A_353 = arith.constant 3 : index
      %get3A_354 = vector.load %arg3[%get3A_352, %get3A_353] : memref<576x8xf32, #tpu.memory_space<vmem>>, vector<576x1xf32>
      %lt3A = arith.cmpf olt, %broadcast_in_dim3A_152, %get3A_354 : vector<576x1xf32>
      %select_n3A_355 = arith.select %lt3A, %broadcast_in_dim3A_152, %get3A_354 : vector<576x1xi1>, vector<576x1xf32>
      %swap3A = arith.constant 0 : index
      %swap3A_356 = arith.constant 3 : index
      %swap3A_357 = vector.load %arg3[%swap3A, %swap3A_356] : memref<576x8xf32, #tpu.memory_space<vmem>>, vector<576x1xf32>
      tpu.vector_store %arg3[%swap3A, %swap3A_356], %select_n3A_355 {strides = array<i32>} : memref<576x8xf32, #tpu.memory_space<vmem>>, vector<576x1xf32>,
      %get3A_358 = arith.constant 0 : index
      %get3A_359 = arith.constant 3 : index
      %get3A_360 = vector.load %arg4[%get3A_358, %get3A_359] : memref<576x8xi32, #tpu.memory_space<vmem>>, vector<576x1xi32>
      %select_n3A_361 = arith.select %lt3A, %add3A_165, %get3A_360 : vector<576x1xi1>, vector<576x1xi32>
      %swap3A_362 = arith.constant 0 : index
      %swap3A_363 = arith.constant 3 : index
      %swap3A_364 = vector.load %arg4[%swap3A_362, %swap3A_363] : memref<576x8xi32, #tpu.memory_space<vmem>>, vector<576x1xi32>
      tpu.vector_store %arg4[%swap3A_362, %swap3A_363], %select_n3A_361 {strides = array<i32>} : memref<576x8xi32, #tpu.memory_space<vmem>>, vector<576x1xi32>,
    } else {
    }
    %get3A_176 = arith.constant 4 : index
    %get3A_177 = arith.constant 0 : index
    %get3A_178 = arith.constant 0 : index
    %get3A_179 = vector.load %arg5[%get3A_176, %get3A_177, %get3A_178] : memref<8x576x256xf32, #tpu.memory_space<vmem>>, vector<1x576x256xf32>
    %get3A_180 = vector.shape_cast %get3A_179 : vector<1x576x256xf32> to vector<576x256xf32>
    %mul3A_181 = arith.mulf %get3A_180, %get3A_180 : vector<576x256xf32>
    %reduce_sum3A_182 = arith.constant dense<0.000000e+00> : vector<576xf32>
    %reduce_sum3A_183 = vector.multi_reduction <add>, %mul3A_181, %reduce_sum3A_182 [1] : vector<576x256xf32> to vector<576xf32>
    %broadcast_in_dim3A_184 = vector.shape_cast %reduce_sum3A_183 : vector<576xf32> to vector<576x1xf32>
    %mul3A_185 = arith.constant 2.500000e-01 : f32
    %mul3A_186 = vector.broadcast %mul3A_185 : f32 to vector<576x1xf32>
    %mul3A_187 = arith.mulf %mul3A_186, %broadcast_in_dim3A_184 : vector<576x1xf32>
    %dot_general3A_188 = arith.constant dense<0.000000e+00> : vector<576x4096xf32>
    %dot_general3A_189 = tpu.matmul %get3A_180, %get3A_3, %dot_general3A_188 {dimension_numbers = #tpu.dot_dimension_numbers<[1], [1], [0], [0], [0, 0, 1, 0], [], []>, transpose_lhs_hint = false} : vector<576x256xf32>, vector<4096x256xf32>, vector<576x4096xf32> -> vector<576x4096xf32>
    %add3A_190 = vector.broadcast %mul3A_187 : vector<576x1xf32> to vector<576x4096xf32>
    %add3A_191 = vector.broadcast %transpose3A : vector<1x4096xf32> to vector<576x4096xf32>
    %add3A_192 = arith.addf %add3A_190, %add3A_191 : vector<576x4096xf32>
    %add3A_193 = arith.addf %add3A_192, %dot_general3A_189 : vector<576x4096xf32>
    %reduce_min3A_194 = arith.constant dense<0x7F800000> : vector<576xf32>
    %reduce_min3A_195 = vector.multi_reduction <minimumf>, %add3A_193, %reduce_min3A_194 [1] : vector<576x4096xf32> to vector<576xf32>
    %broadcast_in_dim3A_196 = vector.shape_cast %reduce_min3A_195 : vector<576xf32> to vector<576x1xf32>
    %eq3A_197 = vector.broadcast %broadcast_in_dim3A_196 : vector<576x1xf32> to vector<576x4096xf32>
    %eq3A_198 = arith.cmpf oeq, %add3A_193, %eq3A_197 : vector<576x4096xf32>
    %jit3A_199 = arith.constant 1.000000e+09 : f32
    %broadcast_in_dim3A_200 = vector.broadcast %jit3A_199 : f32 to vector<576x4096xf32>
    %select_n3A_201 = arith.select %eq3A_198, %convert_element_type3A_5, %broadcast_in_dim3A_200 : vector<576x4096xi1>, vector<576x4096xf32>
    %reduce_min3A_202 = arith.constant dense<0x7F800000> : vector<576xf32>
    %reduce_min3A_203 = vector.multi_reduction <minimumf>, %select_n3A_201, %reduce_min3A_202 [1] : vector<576x4096xf32> to vector<576xf32>
    %broadcast_in_dim3A_204 = vector.shape_cast %reduce_min3A_203 : vector<576xf32> to vector<576x1xf32>
    %convert_element_type3A_205 = arith.fptosi %broadcast_in_dim3A_204 : vector<576x1xf32> to vector<576x1xi32>
    %mul3A_206 = arith.constant 4096 : i32
    %mul3A_207 = arith.muli %arg0, %mul3A_206 : i32
    %add3A_208 = vector.broadcast %mul3A_207 : i32 to vector<576x1xi32>
    %add3A_209 = arith.addi %convert_element_type3A_205, %add3A_208 : vector<576x1xi32>
    %eq3A_210 = arith.constant 0 : i32
    %eq3A_211 = arith.cmpi eq, %arg0, %eq3A_210 : i32
    %convert_element_type3A_212 = arith.extui %eq3A_211 : i1 to i32
    %cond3A_213 = arith.constant 0 : i32
    %cond3A_214 = arith.cmpi ne, %convert_element_type3A_212, %cond3A_213 : i32
    scf.if %cond3A_214 {
      %swap3A = arith.constant 0 : index
      %swap3A_352 = arith.constant 4 : index
      %swap3A_353 = vector.load %arg3[%swap3A, %swap3A_352] : memref<576x8xf32, #tpu.memory_space<vmem>>, vector<576x1xf32>
      tpu.vector_store %arg3[%swap3A, %swap3A_352], %broadcast_in_dim3A_196 {strides = array<i32>} : memref<576x8xf32, #tpu.memory_space<vmem>>, vector<576x1xf32>,
      %swap3A_354 = arith.constant 0 : index
      %swap3A_355 = arith.constant 4 : index
      %swap3A_356 = vector.load %arg4[%swap3A_354, %swap3A_355] : memref<576x8xi32, #tpu.memory_space<vmem>>, vector<576x1xi32>
      tpu.vector_store %arg4[%swap3A_354, %swap3A_355], %add3A_209 {strides = array<i32>} : memref<576x8xi32, #tpu.memory_space<vmem>>, vector<576x1xi32>,
    } else {
    }
    %ne3A_215 = arith.constant 0 : i32
    %ne3A_216 = arith.cmpi ne, %arg0, %ne3A_215 : i32
    %convert_element_type3A_217 = arith.extui %ne3A_216 : i1 to i32
    %cond3A_218 = arith.constant 0 : i32
    %cond3A_219 = arith.cmpi ne, %convert_element_type3A_217, %cond3A_218 : i32
    scf.if %cond3A_219 {
      %get3A_352 = arith.constant 0 : index
      %get3A_353 = arith.constant 4 : index
      %get3A_354 = vector.load %arg3[%get3A_352, %get3A_353] : memref<576x8xf32, #tpu.memory_space<vmem>>, vector<576x1xf32>
      %lt3A = arith.cmpf olt, %broadcast_in_dim3A_196, %get3A_354 : vector<576x1xf32>
      %select_n3A_355 = arith.select %lt3A, %broadcast_in_dim3A_196, %get3A_354 : vector<576x1xi1>, vector<576x1xf32>
      %swap3A = arith.constant 0 : index
      %swap3A_356 = arith.constant 4 : index
      %swap3A_357 = vector.load %arg3[%swap3A, %swap3A_356] : memref<576x8xf32, #tpu.memory_space<vmem>>, vector<576x1xf32>
      tpu.vector_store %arg3[%swap3A, %swap3A_356], %select_n3A_355 {strides = array<i32>} : memref<576x8xf32, #tpu.memory_space<vmem>>, vector<576x1xf32>,
      %get3A_358 = arith.constant 0 : index
      %get3A_359 = arith.constant 4 : index
      %get3A_360 = vector.load %arg4[%get3A_358, %get3A_359] : memref<576x8xi32, #tpu.memory_space<vmem>>, vector<576x1xi32>
      %select_n3A_361 = arith.select %lt3A, %add3A_209, %get3A_360 : vector<576x1xi1>, vector<576x1xi32>
      %swap3A_362 = arith.constant 0 : index
      %swap3A_363 = arith.constant 4 : index
      %swap3A_364 = vector.load %arg4[%swap3A_362, %swap3A_363] : memref<576x8xi32, #tpu.memory_space<vmem>>, vector<576x1xi32>
      tpu.vector_store %arg4[%swap3A_362, %swap3A_363], %select_n3A_361 {strides = array<i32>} : memref<576x8xi32, #tpu.memory_space<vmem>>, vector<576x1xi32>,
    } else {
    }
    %get3A_220 = arith.constant 5 : index
    %get3A_221 = arith.constant 0 : index
    %get3A_222 = arith.constant 0 : index
    %get3A_223 = vector.load %arg5[%get3A_220, %get3A_221, %get3A_222] : memref<8x576x256xf32, #tpu.memory_space<vmem>>, vector<1x576x256xf32>
    %get3A_224 = vector.shape_cast %get3A_223 : vector<1x576x256xf32> to vector<576x256xf32>
    %mul3A_225 = arith.mulf %get3A_224, %get3A_224 : vector<576x256xf32>
    %reduce_sum3A_226 = arith.constant dense<0.000000e+00> : vector<576xf32>
    %reduce_sum3A_227 = vector.multi_reduction <add>, %mul3A_225, %reduce_sum3A_226 [1] : vector<576x256xf32> to vector<576xf32>
    %broadcast_in_dim3A_228 = vector.shape_cast %reduce_sum3A_227 : vector<576xf32> to vector<576x1xf32>
    %mul3A_229 = arith.constant 2.500000e-01 : f32
    %mul3A_230 = vector.broadcast %mul3A_229 : f32 to vector<576x1xf32>
    %mul3A_231 = arith.mulf %mul3A_230, %broadcast_in_dim3A_228 : vector<576x1xf32>
    %dot_general3A_232 = arith.constant dense<0.000000e+00> : vector<576x4096xf32>
    %dot_general3A_233 = tpu.matmul %get3A_224, %get3A_3, %dot_general3A_232 {dimension_numbers = #tpu.dot_dimension_numbers<[1], [1], [0], [0], [0, 0, 1, 0], [], []>, transpose_lhs_hint = false} : vector<576x256xf32>, vector<4096x256xf32>, vector<576x4096xf32> -> vector<576x4096xf32>
    %add3A_234 = vector.broadcast %mul3A_231 : vector<576x1xf32> to vector<576x4096xf32>
    %add3A_235 = vector.broadcast %transpose3A : vector<1x4096xf32> to vector<576x4096xf32>
    %add3A_236 = arith.addf %add3A_234, %add3A_235 : vector<576x4096xf32>
    %add3A_237 = arith.addf %add3A_236, %dot_general3A_233 : vector<576x4096xf32>
    %reduce_min3A_238 = arith.constant dense<0x7F800000> : vector<576xf32>
    %reduce_min3A_239 = vector.multi_reduction <minimumf>, %add3A_237, %reduce_min3A_238 [1] : vector<576x4096xf32> to vector<576xf32>
    %broadcast_in_dim3A_240 = vector.shape_cast %reduce_min3A_239 : vector<576xf32> to vector<576x1xf32>
    %eq3A_241 = vector.broadcast %broadcast_in_dim3A_240 : vector<576x1xf32> to vector<576x4096xf32>
    %eq3A_242 = arith.cmpf oeq, %add3A_237, %eq3A_241 : vector<576x4096xf32>
    %jit3A_243 = arith.constant 1.000000e+09 : f32
    %broadcast_in_dim3A_244 = vector.broadcast %jit3A_243 : f32 to vector<576x4096xf32>
    %select_n3A_245 = arith.select %eq3A_242, %convert_element_type3A_5, %broadcast_in_dim3A_244 : vector<576x4096xi1>, vector<576x4096xf32>
    %reduce_min3A_246 = arith.constant dense<0x7F800000> : vector<576xf32>
    %reduce_min3A_247 = vector.multi_reduction <minimumf>, %select_n3A_245, %reduce_min3A_246 [1] : vector<576x4096xf32> to vector<576xf32>
    %broadcast_in_dim3A_248 = vector.shape_cast %reduce_min3A_247 : vector<576xf32> to vector<576x1xf32>
    %convert_element_type3A_249 = arith.fptosi %broadcast_in_dim3A_248 : vector<576x1xf32> to vector<576x1xi32>
    %mul3A_250 = arith.constant 4096 : i32
    %mul3A_251 = arith.muli %arg0, %mul3A_250 : i32
    %add3A_252 = vector.broadcast %mul3A_251 : i32 to vector<576x1xi32>
    %add3A_253 = arith.addi %convert_element_type3A_249, %add3A_252 : vector<576x1xi32>
    %eq3A_254 = arith.constant 0 : i32
    %eq3A_255 = arith.cmpi eq, %arg0, %eq3A_254 : i32
    %convert_element_type3A_256 = arith.extui %eq3A_255 : i1 to i32
    %cond3A_257 = arith.constant 0 : i32
    %cond3A_258 = arith.cmpi ne, %convert_element_type3A_256, %cond3A_257 : i32
    scf.if %cond3A_258 {
      %swap3A = arith.constant 0 : index
      %swap3A_352 = arith.constant 5 : index
      %swap3A_353 = vector.load %arg3[%swap3A, %swap3A_352] : memref<576x8xf32, #tpu.memory_space<vmem>>, vector<576x1xf32>
      tpu.vector_store %arg3[%swap3A, %swap3A_352], %broadcast_in_dim3A_240 {strides = array<i32>} : memref<576x8xf32, #tpu.memory_space<vmem>>, vector<576x1xf32>,
      %swap3A_354 = arith.constant 0 : index
      %swap3A_355 = arith.constant 5 : index
      %swap3A_356 = vector.load %arg4[%swap3A_354, %swap3A_355] : memref<576x8xi32, #tpu.memory_space<vmem>>, vector<576x1xi32>
      tpu.vector_store %arg4[%swap3A_354, %swap3A_355], %add3A_253 {strides = array<i32>} : memref<576x8xi32, #tpu.memory_space<vmem>>, vector<576x1xi32>,
    } else {
    }
    %ne3A_259 = arith.constant 0 : i32
    %ne3A_260 = arith.cmpi ne, %arg0, %ne3A_259 : i32
    %convert_element_type3A_261 = arith.extui %ne3A_260 : i1 to i32
    %cond3A_262 = arith.constant 0 : i32
    %cond3A_263 = arith.cmpi ne, %convert_element_type3A_261, %cond3A_262 : i32
    scf.if %cond3A_263 {
      %get3A_352 = arith.constant 0 : index
      %get3A_353 = arith.constant 5 : index
      %get3A_354 = vector.load %arg3[%get3A_352, %get3A_353] : memref<576x8xf32, #tpu.memory_space<vmem>>, vector<576x1xf32>
      %lt3A = arith.cmpf olt, %broadcast_in_dim3A_240, %get3A_354 : vector<576x1xf32>
      %select_n3A_355 = arith.select %lt3A, %broadcast_in_dim3A_240, %get3A_354 : vector<576x1xi1>, vector<576x1xf32>
      %swap3A = arith.constant 0 : index
      %swap3A_356 = arith.constant 5 : index
      %swap3A_357 = vector.load %arg3[%swap3A, %swap3A_356] : memref<576x8xf32, #tpu.memory_space<vmem>>, vector<576x1xf32>
      tpu.vector_store %arg3[%swap3A, %swap3A_356], %select_n3A_355 {strides = array<i32>} : memref<576x8xf32, #tpu.memory_space<vmem>>, vector<576x1xf32>,
      %get3A_358 = arith.constant 0 : index
      %get3A_359 = arith.constant 5 : index
      %get3A_360 = vector.load %arg4[%get3A_358, %get3A_359] : memref<576x8xi32, #tpu.memory_space<vmem>>, vector<576x1xi32>
      %select_n3A_361 = arith.select %lt3A, %add3A_253, %get3A_360 : vector<576x1xi1>, vector<576x1xi32>
      %swap3A_362 = arith.constant 0 : index
      %swap3A_363 = arith.constant 5 : index
      %swap3A_364 = vector.load %arg4[%swap3A_362, %swap3A_363] : memref<576x8xi32, #tpu.memory_space<vmem>>, vector<576x1xi32>
      tpu.vector_store %arg4[%swap3A_362, %swap3A_363], %select_n3A_361 {strides = array<i32>} : memref<576x8xi32, #tpu.memory_space<vmem>>, vector<576x1xi32>,
    } else {
    }
    %get3A_264 = arith.constant 6 : index
    %get3A_265 = arith.constant 0 : index
    %get3A_266 = arith.constant 0 : index
    %get3A_267 = vector.load %arg5[%get3A_264, %get3A_265, %get3A_266] : memref<8x576x256xf32, #tpu.memory_space<vmem>>, vector<1x576x256xf32>
    %get3A_268 = vector.shape_cast %get3A_267 : vector<1x576x256xf32> to vector<576x256xf32>
    %mul3A_269 = arith.mulf %get3A_268, %get3A_268 : vector<576x256xf32>
    %reduce_sum3A_270 = arith.constant dense<0.000000e+00> : vector<576xf32>
    %reduce_sum3A_271 = vector.multi_reduction <add>, %mul3A_269, %reduce_sum3A_270 [1] : vector<576x256xf32> to vector<576xf32>
    %broadcast_in_dim3A_272 = vector.shape_cast %reduce_sum3A_271 : vector<576xf32> to vector<576x1xf32>
    %mul3A_273 = arith.constant 2.500000e-01 : f32
    %mul3A_274 = vector.broadcast %mul3A_273 : f32 to vector<576x1xf32>
    %mul3A_275 = arith.mulf %mul3A_274, %broadcast_in_dim3A_272 : vector<576x1xf32>
    %dot_general3A_276 = arith.constant dense<0.000000e+00> : vector<576x4096xf32>
    %dot_general3A_277 = tpu.matmul %get3A_268, %get3A_3, %dot_general3A_276 {dimension_numbers = #tpu.dot_dimension_numbers<[1], [1], [0], [0], [0, 0, 1, 0], [], []>, transpose_lhs_hint = false} : vector<576x256xf32>, vector<4096x256xf32>, vector<576x4096xf32> -> vector<576x4096xf32>
    %add3A_278 = vector.broadcast %mul3A_275 : vector<576x1xf32> to vector<576x4096xf32>
    %add3A_279 = vector.broadcast %transpose3A : vector<1x4096xf32> to vector<576x4096xf32>
    %add3A_280 = arith.addf %add3A_278, %add3A_279 : vector<576x4096xf32>
    %add3A_281 = arith.addf %add3A_280, %dot_general3A_277 : vector<576x4096xf32>
    %reduce_min3A_282 = arith.constant dense<0x7F800000> : vector<576xf32>
    %reduce_min3A_283 = vector.multi_reduction <minimumf>, %add3A_281, %reduce_min3A_282 [1] : vector<576x4096xf32> to vector<576xf32>
    %broadcast_in_dim3A_284 = vector.shape_cast %reduce_min3A_283 : vector<576xf32> to vector<576x1xf32>
    %eq3A_285 = vector.broadcast %broadcast_in_dim3A_284 : vector<576x1xf32> to vector<576x4096xf32>
    %eq3A_286 = arith.cmpf oeq, %add3A_281, %eq3A_285 : vector<576x4096xf32>
    %jit3A_287 = arith.constant 1.000000e+09 : f32
    %broadcast_in_dim3A_288 = vector.broadcast %jit3A_287 : f32 to vector<576x4096xf32>
    %select_n3A_289 = arith.select %eq3A_286, %convert_element_type3A_5, %broadcast_in_dim3A_288 : vector<576x4096xi1>, vector<576x4096xf32>
    %reduce_min3A_290 = arith.constant dense<0x7F800000> : vector<576xf32>
    %reduce_min3A_291 = vector.multi_reduction <minimumf>, %select_n3A_289, %reduce_min3A_290 [1] : vector<576x4096xf32> to vector<576xf32>
    %broadcast_in_dim3A_292 = vector.shape_cast %reduce_min3A_291 : vector<576xf32> to vector<576x1xf32>
    %convert_element_type3A_293 = arith.fptosi %broadcast_in_dim3A_292 : vector<576x1xf32> to vector<576x1xi32>
    %mul3A_294 = arith.constant 4096 : i32
    %mul3A_295 = arith.muli %arg0, %mul3A_294 : i32
    %add3A_296 = vector.broadcast %mul3A_295 : i32 to vector<576x1xi32>
    %add3A_297 = arith.addi %convert_element_type3A_293, %add3A_296 : vector<576x1xi32>
    %eq3A_298 = arith.constant 0 : i32
    %eq3A_299 = arith.cmpi eq, %arg0, %eq3A_298 : i32
    %convert_element_type3A_300 = arith.extui %eq3A_299 : i1 to i32
    %cond3A_301 = arith.constant 0 : i32
    %cond3A_302 = arith.cmpi ne, %convert_element_type3A_300, %cond3A_301 : i32
    scf.if %cond3A_302 {
      %swap3A = arith.constant 0 : index
      %swap3A_352 = arith.constant 6 : index
      %swap3A_353 = vector.load %arg3[%swap3A, %swap3A_352] : memref<576x8xf32, #tpu.memory_space<vmem>>, vector<576x1xf32>
      tpu.vector_store %arg3[%swap3A, %swap3A_352], %broadcast_in_dim3A_284 {strides = array<i32>} : memref<576x8xf32, #tpu.memory_space<vmem>>, vector<576x1xf32>,
      %swap3A_354 = arith.constant 0 : index
      %swap3A_355 = arith.constant 6 : index
      %swap3A_356 = vector.load %arg4[%swap3A_354, %swap3A_355] : memref<576x8xi32, #tpu.memory_space<vmem>>, vector<576x1xi32>
      tpu.vector_store %arg4[%swap3A_354, %swap3A_355], %add3A_297 {strides = array<i32>} : memref<576x8xi32, #tpu.memory_space<vmem>>, vector<576x1xi32>,
    } else {
    }
    %ne3A_303 = arith.constant 0 : i32
    %ne3A_304 = arith.cmpi ne, %arg0, %ne3A_303 : i32
    %convert_element_type3A_305 = arith.extui %ne3A_304 : i1 to i32
    %cond3A_306 = arith.constant 0 : i32
    %cond3A_307 = arith.cmpi ne, %convert_element_type3A_305, %cond3A_306 : i32
    scf.if %cond3A_307 {
      %get3A_352 = arith.constant 0 : index
      %get3A_353 = arith.constant 6 : index
      %get3A_354 = vector.load %arg3[%get3A_352, %get3A_353] : memref<576x8xf32, #tpu.memory_space<vmem>>, vector<576x1xf32>
      %lt3A = arith.cmpf olt, %broadcast_in_dim3A_284, %get3A_354 : vector<576x1xf32>
      %select_n3A_355 = arith.select %lt3A, %broadcast_in_dim3A_284, %get3A_354 : vector<576x1xi1>, vector<576x1xf32>
      %swap3A = arith.constant 0 : index
      %swap3A_356 = arith.constant 6 : index
      %swap3A_357 = vector.load %arg3[%swap3A, %swap3A_356] : memref<576x8xf32, #tpu.memory_space<vmem>>, vector<576x1xf32>
      tpu.vector_store %arg3[%swap3A, %swap3A_356], %select_n3A_355 {strides = array<i32>} : memref<576x8xf32, #tpu.memory_space<vmem>>, vector<576x1xf32>,
      %get3A_358 = arith.constant 0 : index
      %get3A_359 = arith.constant 6 : index
      %get3A_360 = vector.load %arg4[%get3A_358, %get3A_359] : memref<576x8xi32, #tpu.memory_space<vmem>>, vector<576x1xi32>
      %select_n3A_361 = arith.select %lt3A, %add3A_297, %get3A_360 : vector<576x1xi1>, vector<576x1xi32>
      %swap3A_362 = arith.constant 0 : index
      %swap3A_363 = arith.constant 6 : index
      %swap3A_364 = vector.load %arg4[%swap3A_362, %swap3A_363] : memref<576x8xi32, #tpu.memory_space<vmem>>, vector<576x1xi32>
      tpu.vector_store %arg4[%swap3A_362, %swap3A_363], %select_n3A_361 {strides = array<i32>} : memref<576x8xi32, #tpu.memory_space<vmem>>, vector<576x1xi32>,
    } else {
    }
    %get3A_308 = arith.constant 7 : index
    %get3A_309 = arith.constant 0 : index
    %get3A_310 = arith.constant 0 : index
    %get3A_311 = vector.load %arg5[%get3A_308, %get3A_309, %get3A_310] : memref<8x576x256xf32, #tpu.memory_space<vmem>>, vector<1x576x256xf32>
    %get3A_312 = vector.shape_cast %get3A_311 : vector<1x576x256xf32> to vector<576x256xf32>
    %mul3A_313 = arith.mulf %get3A_312, %get3A_312 : vector<576x256xf32>
    %reduce_sum3A_314 = arith.constant dense<0.000000e+00> : vector<576xf32>
    %reduce_sum3A_315 = vector.multi_reduction <add>, %mul3A_313, %reduce_sum3A_314 [1] : vector<576x256xf32> to vector<576xf32>
    %broadcast_in_dim3A_316 = vector.shape_cast %reduce_sum3A_315 : vector<576xf32> to vector<576x1xf32>
    %mul3A_317 = arith.constant 2.500000e-01 : f32
    %mul3A_318 = vector.broadcast %mul3A_317 : f32 to vector<576x1xf32>
    %mul3A_319 = arith.mulf %mul3A_318, %broadcast_in_dim3A_316 : vector<576x1xf32>
    %dot_general3A_320 = arith.constant dense<0.000000e+00> : vector<576x4096xf32>
    %dot_general3A_321 = tpu.matmul %get3A_312, %get3A_3, %dot_general3A_320 {dimension_numbers = #tpu.dot_dimension_numbers<[1], [1], [0], [0], [0, 0, 1, 0], [], []>, transpose_lhs_hint = false} : vector<576x256xf32>, vector<4096x256xf32>, vector<576x4096xf32> -> vector<576x4096xf32>
    %add3A_322 = vector.broadcast %mul3A_319 : vector<576x1xf32> to vector<576x4096xf32>
    %add3A_323 = vector.broadcast %transpose3A : vector<1x4096xf32> to vector<576x4096xf32>
    %add3A_324 = arith.addf %add3A_322, %add3A_323 : vector<576x4096xf32>
    %add3A_325 = arith.addf %add3A_324, %dot_general3A_321 : vector<576x4096xf32>
    %reduce_min3A_326 = arith.constant dense<0x7F800000> : vector<576xf32>
    %reduce_min3A_327 = vector.multi_reduction <minimumf>, %add3A_325, %reduce_min3A_326 [1] : vector<576x4096xf32> to vector<576xf32>
    %broadcast_in_dim3A_328 = vector.shape_cast %reduce_min3A_327 : vector<576xf32> to vector<576x1xf32>
    %eq3A_329 = vector.broadcast %broadcast_in_dim3A_328 : vector<576x1xf32> to vector<576x4096xf32>
    %eq3A_330 = arith.cmpf oeq, %add3A_325, %eq3A_329 : vector<576x4096xf32>
    %jit3A_331 = arith.constant 1.000000e+09 : f32
    %broadcast_in_dim3A_332 = vector.broadcast %jit3A_331 : f32 to vector<576x4096xf32>
    %select_n3A_333 = arith.select %eq3A_330, %convert_element_type3A_5, %broadcast_in_dim3A_332 : vector<576x4096xi1>, vector<576x4096xf32>
    %reduce_min3A_334 = arith.constant dense<0x7F800000> : vector<576xf32>
    %reduce_min3A_335 = vector.multi_reduction <minimumf>, %select_n3A_333, %reduce_min3A_334 [1] : vector<576x4096xf32> to vector<576xf32>
    %broadcast_in_dim3A_336 = vector.shape_cast %reduce_min3A_335 : vector<576xf32> to vector<576x1xf32>
    %convert_element_type3A_337 = arith.fptosi %broadcast_in_dim3A_336 : vector<576x1xf32> to vector<576x1xi32>
    %mul3A_338 = arith.constant 4096 : i32
    %mul3A_339 = arith.muli %arg0, %mul3A_338 : i32
    %add3A_340 = vector.broadcast %mul3A_339 : i32 to vector<576x1xi32>
    %add3A_341 = arith.addi %convert_element_type3A_337, %add3A_340 : vector<576x1xi32>
    %eq3A_342 = arith.constant 0 : i32
    %eq3A_343 = arith.cmpi eq, %arg0, %eq3A_342 : i32
    %convert_element_type3A_344 = arith.extui %eq3A_343 : i1 to i32
    %cond3A_345 = arith.constant 0 : i32
    %cond3A_346 = arith.cmpi ne, %convert_element_type3A_344, %cond3A_345 : i32
    scf.if %cond3A_346 {
      %swap3A = arith.constant 0 : index
      %swap3A_352 = arith.constant 7 : index
      %swap3A_353 = vector.load %arg3[%swap3A, %swap3A_352] : memref<576x8xf32, #tpu.memory_space<vmem>>, vector<576x1xf32>
      tpu.vector_store %arg3[%swap3A, %swap3A_352], %broadcast_in_dim3A_328 {strides = array<i32>} : memref<576x8xf32, #tpu.memory_space<vmem>>, vector<576x1xf32>,
      %swap3A_354 = arith.constant 0 : index
      %swap3A_355 = arith.constant 7 : index
      %swap3A_356 = vector.load %arg4[%swap3A_354, %swap3A_355] : memref<576x8xi32, #tpu.memory_space<vmem>>, vector<576x1xi32>
      tpu.vector_store %arg4[%swap3A_354, %swap3A_355], %add3A_341 {strides = array<i32>} : memref<576x8xi32, #tpu.memory_space<vmem>>, vector<576x1xi32>,
    } else {
    }
    %ne3A_347 = arith.constant 0 : i32
    %ne3A_348 = arith.cmpi ne, %arg0, %ne3A_347 : i32
    %convert_element_type3A_349 = arith.extui %ne3A_348 : i1 to i32
    %cond3A_350 = arith.constant 0 : i32
    %cond3A_351 = arith.cmpi ne, %convert_element_type3A_349, %cond3A_350 : i32
    scf.if %cond3A_351 {
      %get3A_352 = arith.constant 0 : index
      %get3A_353 = arith.constant 7 : index
      %get3A_354 = vector.load %arg3[%get3A_352, %get3A_353] : memref<576x8xf32, #tpu.memory_space<vmem>>, vector<576x1xf32>
      %lt3A = arith.cmpf olt, %broadcast_in_dim3A_328, %get3A_354 : vector<576x1xf32>
      %select_n3A_355 = arith.select %lt3A, %broadcast_in_dim3A_328, %get3A_354 : vector<576x1xi1>, vector<576x1xf32>
      %swap3A = arith.constant 0 : index
      %swap3A_356 = arith.constant 7 : index
      %swap3A_357 = vector.load %arg3[%swap3A, %swap3A_356] : memref<576x8xf32, #tpu.memory_space<vmem>>, vector<576x1xf32>
      tpu.vector_store %arg3[%swap3A, %swap3A_356], %select_n3A_355 {strides = array<i32>} : memref<576x8xf32, #tpu.memory_space<vmem>>, vector<576x1xf32>,
      %get3A_358 = arith.constant 0 : index
      %get3A_359 = arith.constant 7 : index
      %get3A_360 = vector.load %arg4[%get3A_358, %get3A_359] : memref<576x8xi32, #tpu.memory_space<vmem>>, vector<576x1xi32>
      %select_n3A_361 = arith.select %lt3A, %add3A_341, %get3A_360 : vector<576x1xi1>, vector<576x1xi32>
      %swap3A_362 = arith.constant 0 : index
      %swap3A_363 = arith.constant 7 : index
      %swap3A_364 = vector.load %arg4[%swap3A_362, %swap3A_363] : memref<576x8xi32, #tpu.memory_space<vmem>>, vector<576x1xi32>
      tpu.vector_store %arg4[%swap3A_362, %swap3A_363], %select_n3A_361 {strides = array<i32>} : memref<576x8xi32, #tpu.memory_space<vmem>>, vector<576x1xi32>,
    } else {
    }
    return
  }
  func.func @transform_0(%arg0: i32) -> (i32, i32, i32) {
    %c0_i32 = arith.constant 0 : i32
    %c0_i32_0 = arith.constant 0 : i32
    %c0_i32_1 = arith.constant 0 : i32
    %c0_i32_2 = arith.constant 0 : i32
    return %c0_i32, %c0_i32_0, %c0_i32_1 : i32, i32, i32
  }
  func.func @transform_1(%arg0: i32) -> (i32, i32) {
    %c0_i32 = arith.constant 0 : i32
    %c0_i32_0 = arith.constant 0 : i32
    return %arg0, %c0_i32 : i32, i32
  }
  func.func @transform_2(%arg0: i32) -> (i32, i32) {
    %c0_i32 = arith.constant 0 : i32
    %c0_i32_0 = arith.constant 0 : i32
    %c0_i32_1 = arith.constant 0 : i32
    return %c0_i32, %c0_i32_0 : i32, i32
  }
  func.func @transform_3(%arg0: i32) -> (i32, i32) {
    %c0_i32 = arith.constant 0 : i32
    %c0_i32_0 = arith.constant 0 : i32
    %c0_i32_1 = arith.constant 0 : i32
    return %c0_i32, %c0_i32_0 : i32, i32
  }
}

module attributes {stable_mosaic.version = 14 : i64} {
  func.func @_epilogue_body(%arg0: memref<576x8xf32, #tpu.memory_space<vmem>>, %arg1: memref<2x8192xf32, #tpu.memory_space<vmem>>, %arg2: memref<8x576x256xf32, #tpu.memory_space<vmem>>, %arg3: memref<1x1xf32, #tpu.memory_space<vmem>>, %arg4: memref<1x1xf32, #tpu.memory_space<vmem>>, %arg5: memref<8x256x576xf32, #tpu.memory_space<vmem>>) attributes {dimension_semantics = [], scalar_prefetch = 0 : i64, scratch_operands = 0 : i64, tpu.core_type = #tpu.core_type<tc>} {
    %get3A = arith.constant 0 : index
    %get3A_0 = arith.constant 0 : index
    %get3A_1 = vector.load %arg0[%get3A, %get3A_0] : memref<576x8xf32, #tpu.memory_space<vmem>>, vector<576x8xf32>
    %reduce_sum3A = vector.shape_cast %get3A_1 : vector<576x8xf32> to vector<1x576x8xf32>
    %reduce_sum3A_2 = arith.constant dense<0.000000e+00> : vector<1xf32>
    %reduce_sum3A_3 = vector.multi_reduction <add>, %reduce_sum3A, %reduce_sum3A_2 [1, 2] : vector<1x576x8xf32> to vector<1xf32>
    %reduce_sum3A_4 = vector.shape_cast %reduce_sum3A_3 : vector<1xf32> to vector<1x1x1xf32>
    %reduce_sum3A_5 = vector.extract %reduce_sum3A_4[0, 0, 0] : f32 from vector<1x1x1xf32>
    %mul3A = arith.constant 1.250000e+00 : f32
    %mul3A_6 = arith.mulf %mul3A, %reduce_sum3A_5 : f32
    %div3A = arith.constant 0x49900000 : f32
    %div3A_7 = arith.divf %mul3A_6, %div3A : f32
    %broadcast_in_dim3A = vector.broadcast %div3A_7 : f32 to vector<1x1xf32>
    %swap3A = arith.constant 0 : index
    %swap3A_8 = arith.constant 0 : index
    %swap3A_9 = vector.load %arg3[%swap3A, %swap3A_8] : memref<1x1xf32, #tpu.memory_space<vmem>>, vector<1x1xf32>
    tpu.vector_store %arg3[%swap3A, %swap3A_8], %broadcast_in_dim3A {strides = array<i32>} : memref<1x1xf32, #tpu.memory_space<vmem>>, vector<1x1xf32>,
    %get3A_10 = arith.constant 0 : index
    %get3A_11 = arith.constant 0 : index
    %get3A_12 = vector.load %arg1[%get3A_10, %get3A_11] : memref<2x8192xf32, #tpu.memory_space<vmem>>, vector<2x8192xf32>
    %reduce_sum3A_13 = arith.constant dense<0.000000e+00> : vector<8192xf32>
    %reduce_sum3A_14 = vector.multi_reduction <add>, %get3A_12, %reduce_sum3A_13 [0] : vector<2x8192xf32> to vector<8192xf32>
    %broadcast_in_dim3A_15 = vector.shape_cast %reduce_sum3A_14 : vector<8192xf32> to vector<1x8192xf32>
    %mul3A_16 = arith.constant 2.17013891E-4 : f32
    %mul3A_17 = vector.broadcast %mul3A_16 : f32 to vector<1x8192xf32>
    %mul3A_18 = arith.mulf %broadcast_in_dim3A_15, %mul3A_17 : vector<1x8192xf32>
    %add3A = arith.constant 1.000000e-10 : f32
    %add3A_19 = vector.broadcast %add3A : f32 to vector<1x8192xf32>
    %add3A_20 = arith.addf %mul3A_18, %add3A_19 : vector<1x8192xf32>
    %log3A = math.log %add3A_20 : vector<1x8192xf32>
    %mul3A_21 = arith.mulf %mul3A_18, %log3A : vector<1x8192xf32>
    %reduce_sum3A_22 = vector.shape_cast %mul3A_21 : vector<1x8192xf32> to vector<1x1x8192xf32>
    %reduce_sum3A_23 = arith.constant dense<0.000000e+00> : vector<1xf32>
    %reduce_sum3A_24 = vector.multi_reduction <add>, %reduce_sum3A_22, %reduce_sum3A_23 [1, 2] : vector<1x1x8192xf32> to vector<1xf32>
    %reduce_sum3A_25 = vector.shape_cast %reduce_sum3A_24 : vector<1xf32> to vector<1x1x1xf32>
    %reduce_sum3A_26 = vector.extract %reduce_sum3A_25[0, 0, 0] : f32 from vector<1x1x1xf32>
    %neg3A = arith.constant 0.000000e+00 : f32
    %neg3A_27 = arith.subf %neg3A, %reduce_sum3A_26 : f32
    %exp3A = math.exp %neg3A_27 : f32
    %broadcast_in_dim3A_28 = vector.broadcast %exp3A : f32 to vector<1x1xf32>
    %swap3A_29 = arith.constant 0 : index
    %swap3A_30 = arith.constant 0 : index
    %swap3A_31 = vector.load %arg4[%swap3A_29, %swap3A_30] : memref<1x1xf32, #tpu.memory_space<vmem>>, vector<1x1xf32>
    tpu.vector_store %arg4[%swap3A_29, %swap3A_30], %broadcast_in_dim3A_28 {strides = array<i32>} : memref<1x1xf32, #tpu.memory_space<vmem>>, vector<1x1xf32>,
    %get3A_32 = arith.constant 0 : index
    %get3A_33 = arith.constant 0 : index
    %get3A_34 = arith.constant 0 : index
    %get3A_35 = vector.load %arg2[%get3A_32, %get3A_33, %get3A_34] : memref<8x576x256xf32, #tpu.memory_space<vmem>>, vector<1x576x256xf32>
    %get3A_36 = vector.shape_cast %get3A_35 : vector<1x576x256xf32> to vector<576x256xf32>
    %transpose3A = tpu.transpose %get3A_36, [1, 0] : vector<576x256xf32> -> vector<256x576xf32>
    %swap3A_37 = arith.constant 0 : index
    %swap3A_38 = arith.constant 0 : index
    %swap3A_39 = arith.constant 0 : index
    %swap3A_40 = vector.load %arg5[%swap3A_37, %swap3A_38, %swap3A_39] : memref<8x256x576xf32, #tpu.memory_space<vmem>>, vector<1x256x576xf32>
    %swap3A_41 = vector.shape_cast %swap3A_40 : vector<1x256x576xf32> to vector<256x576xf32>
    %swap3A_42 = vector.shape_cast %transpose3A : vector<256x576xf32> to vector<1x256x576xf32>
    tpu.vector_store %arg5[%swap3A_37, %swap3A_38, %swap3A_39], %swap3A_42 {strides = array<i32>} : memref<8x256x576xf32, #tpu.memory_space<vmem>>, vector<1x256x576xf32>,
    %get3A_43 = arith.constant 1 : index
    %get3A_44 = arith.constant 0 : index
    %get3A_45 = arith.constant 0 : index
    %get3A_46 = vector.load %arg2[%get3A_43, %get3A_44, %get3A_45] : memref<8x576x256xf32, #tpu.memory_space<vmem>>, vector<1x576x256xf32>
    %get3A_47 = vector.shape_cast %get3A_46 : vector<1x576x256xf32> to vector<576x256xf32>
    %transpose3A_48 = tpu.transpose %get3A_47, [1, 0] : vector<576x256xf32> -> vector<256x576xf32>
    %swap3A_49 = arith.constant 1 : index
    %swap3A_50 = arith.constant 0 : index
    %swap3A_51 = arith.constant 0 : index
    %swap3A_52 = vector.load %arg5[%swap3A_49, %swap3A_50, %swap3A_51] : memref<8x256x576xf32, #tpu.memory_space<vmem>>, vector<1x256x576xf32>
    %swap3A_53 = vector.shape_cast %swap3A_52 : vector<1x256x576xf32> to vector<256x576xf32>
    %swap3A_54 = vector.shape_cast %transpose3A_48 : vector<256x576xf32> to vector<1x256x576xf32>
    tpu.vector_store %arg5[%swap3A_49, %swap3A_50, %swap3A_51], %swap3A_54 {strides = array<i32>} : memref<8x256x576xf32, #tpu.memory_space<vmem>>, vector<1x256x576xf32>,
    %get3A_55 = arith.constant 2 : index
    %get3A_56 = arith.constant 0 : index
    %get3A_57 = arith.constant 0 : index
    %get3A_58 = vector.load %arg2[%get3A_55, %get3A_56, %get3A_57] : memref<8x576x256xf32, #tpu.memory_space<vmem>>, vector<1x576x256xf32>
    %get3A_59 = vector.shape_cast %get3A_58 : vector<1x576x256xf32> to vector<576x256xf32>
    %transpose3A_60 = tpu.transpose %get3A_59, [1, 0] : vector<576x256xf32> -> vector<256x576xf32>
    %swap3A_61 = arith.constant 2 : index
    %swap3A_62 = arith.constant 0 : index
    %swap3A_63 = arith.constant 0 : index
    %swap3A_64 = vector.load %arg5[%swap3A_61, %swap3A_62, %swap3A_63] : memref<8x256x576xf32, #tpu.memory_space<vmem>>, vector<1x256x576xf32>
    %swap3A_65 = vector.shape_cast %swap3A_64 : vector<1x256x576xf32> to vector<256x576xf32>
    %swap3A_66 = vector.shape_cast %transpose3A_60 : vector<256x576xf32> to vector<1x256x576xf32>
    tpu.vector_store %arg5[%swap3A_61, %swap3A_62, %swap3A_63], %swap3A_66 {strides = array<i32>} : memref<8x256x576xf32, #tpu.memory_space<vmem>>, vector<1x256x576xf32>,
    %get3A_67 = arith.constant 3 : index
    %get3A_68 = arith.constant 0 : index
    %get3A_69 = arith.constant 0 : index
    %get3A_70 = vector.load %arg2[%get3A_67, %get3A_68, %get3A_69] : memref<8x576x256xf32, #tpu.memory_space<vmem>>, vector<1x576x256xf32>
    %get3A_71 = vector.shape_cast %get3A_70 : vector<1x576x256xf32> to vector<576x256xf32>
    %transpose3A_72 = tpu.transpose %get3A_71, [1, 0] : vector<576x256xf32> -> vector<256x576xf32>
    %swap3A_73 = arith.constant 3 : index
    %swap3A_74 = arith.constant 0 : index
    %swap3A_75 = arith.constant 0 : index
    %swap3A_76 = vector.load %arg5[%swap3A_73, %swap3A_74, %swap3A_75] : memref<8x256x576xf32, #tpu.memory_space<vmem>>, vector<1x256x576xf32>
    %swap3A_77 = vector.shape_cast %swap3A_76 : vector<1x256x576xf32> to vector<256x576xf32>
    %swap3A_78 = vector.shape_cast %transpose3A_72 : vector<256x576xf32> to vector<1x256x576xf32>
    tpu.vector_store %arg5[%swap3A_73, %swap3A_74, %swap3A_75], %swap3A_78 {strides = array<i32>} : memref<8x256x576xf32, #tpu.memory_space<vmem>>, vector<1x256x576xf32>,
    %get3A_79 = arith.constant 4 : index
    %get3A_80 = arith.constant 0 : index
    %get3A_81 = arith.constant 0 : index
    %get3A_82 = vector.load %arg2[%get3A_79, %get3A_80, %get3A_81] : memref<8x576x256xf32, #tpu.memory_space<vmem>>, vector<1x576x256xf32>
    %get3A_83 = vector.shape_cast %get3A_82 : vector<1x576x256xf32> to vector<576x256xf32>
    %transpose3A_84 = tpu.transpose %get3A_83, [1, 0] : vector<576x256xf32> -> vector<256x576xf32>
    %swap3A_85 = arith.constant 4 : index
    %swap3A_86 = arith.constant 0 : index
    %swap3A_87 = arith.constant 0 : index
    %swap3A_88 = vector.load %arg5[%swap3A_85, %swap3A_86, %swap3A_87] : memref<8x256x576xf32, #tpu.memory_space<vmem>>, vector<1x256x576xf32>
    %swap3A_89 = vector.shape_cast %swap3A_88 : vector<1x256x576xf32> to vector<256x576xf32>
    %swap3A_90 = vector.shape_cast %transpose3A_84 : vector<256x576xf32> to vector<1x256x576xf32>
    tpu.vector_store %arg5[%swap3A_85, %swap3A_86, %swap3A_87], %swap3A_90 {strides = array<i32>} : memref<8x256x576xf32, #tpu.memory_space<vmem>>, vector<1x256x576xf32>,
    %get3A_91 = arith.constant 5 : index
    %get3A_92 = arith.constant 0 : index
    %get3A_93 = arith.constant 0 : index
    %get3A_94 = vector.load %arg2[%get3A_91, %get3A_92, %get3A_93] : memref<8x576x256xf32, #tpu.memory_space<vmem>>, vector<1x576x256xf32>
    %get3A_95 = vector.shape_cast %get3A_94 : vector<1x576x256xf32> to vector<576x256xf32>
    %transpose3A_96 = tpu.transpose %get3A_95, [1, 0] : vector<576x256xf32> -> vector<256x576xf32>
    %swap3A_97 = arith.constant 5 : index
    %swap3A_98 = arith.constant 0 : index
    %swap3A_99 = arith.constant 0 : index
    %swap3A_100 = vector.load %arg5[%swap3A_97, %swap3A_98, %swap3A_99] : memref<8x256x576xf32, #tpu.memory_space<vmem>>, vector<1x256x576xf32>
    %swap3A_101 = vector.shape_cast %swap3A_100 : vector<1x256x576xf32> to vector<256x576xf32>
    %swap3A_102 = vector.shape_cast %transpose3A_96 : vector<256x576xf32> to vector<1x256x576xf32>
    tpu.vector_store %arg5[%swap3A_97, %swap3A_98, %swap3A_99], %swap3A_102 {strides = array<i32>} : memref<8x256x576xf32, #tpu.memory_space<vmem>>, vector<1x256x576xf32>,
    %get3A_103 = arith.constant 6 : index
    %get3A_104 = arith.constant 0 : index
    %get3A_105 = arith.constant 0 : index
    %get3A_106 = vector.load %arg2[%get3A_103, %get3A_104, %get3A_105] : memref<8x576x256xf32, #tpu.memory_space<vmem>>, vector<1x576x256xf32>
    %get3A_107 = vector.shape_cast %get3A_106 : vector<1x576x256xf32> to vector<576x256xf32>
    %transpose3A_108 = tpu.transpose %get3A_107, [1, 0] : vector<576x256xf32> -> vector<256x576xf32>
    %swap3A_109 = arith.constant 6 : index
    %swap3A_110 = arith.constant 0 : index
    %swap3A_111 = arith.constant 0 : index
    %swap3A_112 = vector.load %arg5[%swap3A_109, %swap3A_110, %swap3A_111] : memref<8x256x576xf32, #tpu.memory_space<vmem>>, vector<1x256x576xf32>
    %swap3A_113 = vector.shape_cast %swap3A_112 : vector<1x256x576xf32> to vector<256x576xf32>
    %swap3A_114 = vector.shape_cast %transpose3A_108 : vector<256x576xf32> to vector<1x256x576xf32>
    tpu.vector_store %arg5[%swap3A_109, %swap3A_110, %swap3A_111], %swap3A_114 {strides = array<i32>} : memref<8x256x576xf32, #tpu.memory_space<vmem>>, vector<1x256x576xf32>,
    %get3A_115 = arith.constant 7 : index
    %get3A_116 = arith.constant 0 : index
    %get3A_117 = arith.constant 0 : index
    %get3A_118 = vector.load %arg2[%get3A_115, %get3A_116, %get3A_117] : memref<8x576x256xf32, #tpu.memory_space<vmem>>, vector<1x576x256xf32>
    %get3A_119 = vector.shape_cast %get3A_118 : vector<1x576x256xf32> to vector<576x256xf32>
    %transpose3A_120 = tpu.transpose %get3A_119, [1, 0] : vector<576x256xf32> -> vector<256x576xf32>
    %swap3A_121 = arith.constant 7 : index
    %swap3A_122 = arith.constant 0 : index
    %swap3A_123 = arith.constant 0 : index
    %swap3A_124 = vector.load %arg5[%swap3A_121, %swap3A_122, %swap3A_123] : memref<8x256x576xf32, #tpu.memory_space<vmem>>, vector<1x256x576xf32>
    %swap3A_125 = vector.shape_cast %swap3A_124 : vector<1x256x576xf32> to vector<256x576xf32>
    %swap3A_126 = vector.shape_cast %transpose3A_120 : vector<256x576xf32> to vector<1x256x576xf32>
    tpu.vector_store %arg5[%swap3A_121, %swap3A_122, %swap3A_123], %swap3A_126 {strides = array<i32>} : memref<8x256x576xf32, #tpu.memory_space<vmem>>, vector<1x256x576xf32>,
    return
  }
}

</mosaic_0001>

<sc_bundles>
// kernel: kernel.5.cloned.1.call-start
scs
__scs_entry_jumppad:
0x0: {  	(pc) =	sbr.rel $0x88, $3  }
0x1: {  	(tag) =	ssettag $0x0;
	lr =	simm.s32 $0x1  }
0x2: {  	[smem:$0x3F9F] =	sst lr;
	_ =	strace $0xD0000000  }
0x3: {  	_ = 	snop  }
0x4: {  	_ = 	snop  }
0x5: {  	_ = 	snop  }
0x6: {  	_ = 	snop  }
0x7: {  	_ = 	snop  }
__scs_overlays_trampoline_lowered:
0x8: {  	[smem:$0x3FAE] =	sst s0  }
0x9: {  	[smem:$0x3FAF] =	sst s1  }
0xa: {  	[smem:$0x3FB0] =	sst s2  }
0xb: {  	[smem:$0x3FB1] =	sst s3  }
0xc: {  	[smem:$0x3FB2] =	sst s4  }
0xd: {  	[smem:$0x3FB3] =	sst s5  }
0xe: {  	[smem:$0x3FB4] =	sst s6  }
0xf: {  	[smem:$0x3FB5] =	sst s7  }
0x10: {  	[smem:$0x3FB6] =	sst s8  }
0x11: {  	[smem:$0x3FB7] =	sst s9;
	s0 =	simm.s32 @!p0 $0x0  }
0x12: {  	s1 =	sld [smem:$0x3F9D];
	s0 =	simm.s32 @p0 $0x1  }
0x13: {  	[smem:$0x3FB8] =	sst s0;
	s0 =	simm.s32 @!p1 $0x0  }
0x14: {  	s2 =	sld [smem:$0x3F9C];
	s0 =	simm.s32 @p1 $0x1  }
0x15: {  	[smem:$0x3FB9] =	sst s0;
	s0 =	simm.s32 @!p2 $0x0  }
0x16: {  	s3 =	sld [smem:$0x3FDB];
	s0 =	simm.s32 @p2 $0x1  }
0x17: {  	s4 =	simm.s32 $0x1BF5;
	[smem:$0x3FBB] =	sst s0  }
0x18: {  	s0 =	sld [smem:$0x3F9E];
	_ =	swait.ge [sflag:s4], $0x0  }
0x19: {  	s7 =	sld [smem:$0x3F9F]  }
0x1a: {  	s8 =	sadd.s32 $0xFFFFE003, lr  }
0x1b: {  	s9 =	sadd.s32 $0xFFFFFEF7, lr;
	s5 =	simm.s32 $0xFFFFFFFF;
	p2 =	slt.u32 s8, $0xFFFFF086  }
0x1c: {  	p1 =	slt.u32 s9, $0xF7A;
	s5 =	simm.s32 @!p2 $0x0  }
0x1d: {  	s5 =	simm.s32 @p1 $0x1;
	p0 =	seq.s32 s7, s2  }
0x1e: {  	s7 =	smul.u32 @!p0 $0xF7A, s2;
	p2 =	seq.s32 @!p0 s5, $0x0  }
0x1f: {  	s9 =	smul.u32 $0xF7A, s1;
	s8 =	simm.s32 @!p0 $0x1BF5;
	p2 =	por !p2, p0  }
0x20: {  	[sflag:s8] =	ssyncset.s32 @!p0 $0xFFFFF086;
	s6 =	sadd.s32 @!p0 s3, s7;
	s7 =	simm.s32 @!p0 $0x108  }
0x21: {  	s3 =	sadd.s32 s3, s9;
	s6 =	sadd.s32 @!p0 $0x88, s6;
	s7 =	simm.s32 @p2 $0x1082  }
0x22: {  	[simem:s7], [sflag:s8] =	dma.local @!p0 [hbm:s6], $0xF7A  }
0x23: {  	s9 =	sor.u32 $0xD0000000, s2;
	s6 =	simm.s32 $0x108;
	_ =	swait.ge @!p0 [sflag:s8], $0x0  }
0x24: {  	s3 =	sadd.s32 $0x88, s3;
	s6 =	simm.s32 @!p1 $0x1082;
	[sflag:s4] =	ssyncset.s32 $0xFFFFF086  }
0x25: {  	[simem:s6], [sflag:s4] =	dma.local [hbm:s3], $0xF7A  }
0x26: {  	[smem:$0x3F9F] =	sst s1;
	(tag) =	ssettag s2;
	_ =	strace s9  }
0x27: {  	s1 =	sld [smem:$0x3FAF]  }
0x28: {  	s2 =	sld [smem:$0x3FB0]  }
0x29: {  	s4 =	sld [smem:$0x3FB2]  }
0x2a: {  	p0 =	seq.s32 s5, $0x0;
	s5 =	sld [smem:$0x3FB3]  }
0x2b: {  	s6 =	sld [smem:$0x3FB4]  }
0x2c: {  	s7 =	sld [smem:$0x3FB5]  }
0x2d: {  	s3 =	simm.s32 $0x108;
	s8 =	sld [smem:$0x3FB6]  }
0x2e: {  	s3 =	simm.s32 @!p0 $0x1082;
	s9 =	sld [smem:$0x3FB7]  }
0x2f: {  	lr =	sadd.s32 s0, s3;
	s0 =	sld [smem:$0x3FAE]  }
0x30: {  	s3 =	sld [smem:$0x3FB1]  }
0x31: {  	[smem:$0x3FBA] =	sst s10  }
0x32: {  	s10 =	sld [smem:$0x3FB8];
	_ =	sdelay $0x3  }
0x33: {  	p0 =	seq.s32 s10, $0x1;
	s10 =	sld [smem:$0x3FBA];
	_ =	sdelay $0x3  }
0x34: {  	[smem:$0x3FBA] =	sst s10  }
0x35: {  	s10 =	sld [smem:$0x3FB9];
	_ =	sdelay $0x3  }
0x36: {  	p1 =	seq.s32 s10, $0x1;
	s10 =	sld [smem:$0x3FBA];
	_ =	sdelay $0x3  }
0x37: {  	[smem:$0x3FBA] =	sst s10  }
0x38: {  	s10 =	sld [smem:$0x3FBB]  }
0x39: {  	_ = 	snop;
	(pc) =	sbr.ind lr, $3  }
0x3a: {  	_ = 	snop  }
0x3b: {  	_ = 	snop  }
0x3c: {  	p2 =	seq.s32 s10, $0x1;
	s10 =	sld [smem:$0x3FBA]  }
0x3d: {  	_ =	shalt  }
0x3e: {  	_ =	shalt  }
0x3f: {  	_ =	shalt  }
0x40: {  	_ =	shalt  }
0x41: {  	_ =	shalt  }
0x42: {  	_ =	shalt  }
0x43: {  	_ =	shalt  }
0x44: {  	_ =	shalt  }
0x45: {  	_ =	shalt  }
0x46: {  	_ =	shalt  }
0x47: {  	_ =	shalt  }
0x48: {  	_ =	shalt  }
0x49: {  	_ =	shalt  }
0x4a: {  	_ =	shalt  }
0x4b: {  	_ =	shalt  }
0x4c: {  	_ =	shalt  }
0x4d: {  	_ =	shalt  }
0x4e: {  	_ =	shalt  }
0x4f: {  	_ =	shalt  }
0x50: {  	_ =	shalt  }
0x51: {  	_ =	shalt  }
0x52: {  	_ =	shalt  }
0x53: {  	_ =	shalt  }
0x54: {  	_ =	shalt  }
0x55: {  	_ =	shalt  }
0x56: {  	_ =	shalt  }
0x57: {  	_ =	shalt  }
0x58: {  	_ =	shalt  }
0x59: {  	_ =	shalt  }
0x5a: {  	_ =	shalt  }
0x5b: {  	_ =	shalt  }
0x5c: {  	_ =	shalt  }
0x5d: {  	_ =	shalt  }
0x5e: {  	_ =	shalt  }
0x5f: {  	_ =	shalt  }
0x60: {  	_ =	shalt  }
0x61: {  	_ =	shalt  }
0x62: {  	_ =	shalt  }
0x63: {  	_ =	shalt  }
0x64: {  	_ =	shalt  }
0x65: {  	_ =	shalt  }
0x66: {  	_ =	shalt  }
0x67: {  	_ =	shalt  }
0x68: {  	_ =	shalt  }
0x69: {  	_ =	shalt  }
0x6a: {  	_ =	shalt  }
0x6b: {  	_ =	shalt  }
0x6c: {  	_ =	shalt  }
0x6d: {  	_ =	shalt  }
0x6e: {  	_ =	shalt  }
0x6f: {  	_ =	shalt  }
0x70: {  	_ =	shalt  }
0x71: {  	_ =	shalt  }
0x72: {  	_ =	shalt  }
0x73: {  	_ =	shalt  }
0x74: {  	_ =	shalt  }
0x75: {  	_ =	shalt  }
0x76: {  	_ =	shalt  }
0x77: {  	_ =	shalt  }
0x78: {  	_ =	shalt  }
0x79: {  	_ =	shalt  }
0x7a: {  	_ =	shalt  }
0x7b: {  	_ =	shalt  }
0x7c: {  	_ =	shalt  }
0x7d: {  	_ =	shalt  }
0x7e: {  	_ =	shalt  }
0x7f: {  	_ =	shalt  }
0x80: {  	_ =	shalt  }
0x81: {  	_ =	shalt  }
0x82: {  	_ =	shalt  }
0x83: {  	_ =	shalt  }
0x84: {  	_ =	shalt  }
0x85: {  	_ =	shalt  }
0x86: {  	_ =	shalt  }
0x87: {  	_ =	shalt  }
.Lfunc_end0:
.L_simem_size_0:
called_computation_lowered:
.L_overlay_start_0:
0x88: {  	s2 =	sld [smem:$0x3FD9]  }
0x89: {  	s3 =	sld [smem:$0x3FFE];
	_ =	sdelay $0x1  }
0x8a: {  	s1 =	srdreg.scid  }
0x8b: {  	s0 =	sand.u32 $0x1, s1  }
0x8c: {  	s14 =	sshll.u32 s0, $0xA;
	s2 =	sadd.s32 s3, s2  }
0x8d: {  	s2 =	sadd.s32 s2, s14  }
0x8e: {  	[smem:$0x3FC6] =	sst s2  }
0x8f: {  	_ = 	snop  }
0x90: {  	s2 =	sld [smem:$0x3FD0];
	_ =	sdelay $0x2  }
0x91: {  	s4 =	simm.s32 $0xA;
	s5 =	simm.s32 $0x10;
	s15 =	sld [smem:$0x3FC8]  }
0x92: {  	[smem:s5], [sflag:s4] =	dma.local [hbm:s2], $0x1  }
0x93: {  	_ =	swait.eq [sflag:s4], $0x1  }
0x94: {  	[sflag:s4] =	ssyncset.done $0x0  }
0x95: {  	[sflag:s4] =	ssyncadd.s32 $0xFFFFFFFF  }
0x96: {  	s16 =	sld [smem:$0x11];
	(tm) =	ssettm $0x1  }
0x97: {  	s17 =	sld [smem:$0x3FFB];
	_ =	sdelay $0x3  }
0x98: {  	_ =	strace s17  }
0x99: {  	s4 =	sld [smem:$0x3FFC];
	_ =	sdelay $0x3  }
0x9a: {  	_ =	strace s4  }
0x9b: {  	s4 =	sld [smem:$0x3FFD];
	_ =	sdelay $0x3  }
0x9c: {  	_ =	strace s4  }
0x9d: {  	_ =	strace $0x8FFFFFFF  }
0x9e: {  	s18 =	sld [smem:$0x3FDB];
	_ =	sdelay $0x1  }
0x9f: {  	s19 =	simm.s32 $_scs_section_size  }
0xa0: {  	s6 =	simm.s32 $_size__tile_overlayer_lowered;
	s7 =	simm.s32 $_tile_overlayer_lowered  }
0xa1: {  	s22 =	simm.s32 $0x1BFF;
	s21 =	sshll.u32 s7, $0x1;
	s4 =	sadd.s32 s19, s18  }
0xa2: {  	s8 =	simm.s32 $0x0;
	s20 =	sshll.u32 s6, $0x1;
	s6 =	sadd.s32 s21, s4  }
0xa3: {  	[timem:s8], [sflag:s22] =	dma.local [hbm:s6], s20  }
0xa4: {  	_ =	swait.ge [sflag:s22], s20  }
0xa5: {  	s5 =	ssub.s32 $0x0, s20;
	[sflag:s22] =	ssyncset.done $0x0  }
0xa6: {  	[sflag:s22] =	ssyncadd.s32 s5;
	_ =	sdelay $0x1  }
0xa7: {  	s23 =	simm.s32 $0x1B8B  }
0xa8: {  	_ =	swait.ge [sflag:s23], $0x1  }
0xa9: {  	[sflag:s23] =	ssyncset.done $0x0  }
0xaa: {  	s25 =	simm.s32 $0x1B8E;
	s24 =	sld [smem:$0x3FFE];
	[sflag:s23] =	ssyncadd.s32 $0xFFFFFFFF  }
0xab: {  	s26 =	simm.s32 $execute0_lowered;
	[smem:$0x3FD2] =	sst s25  }
0xac: {  	s6 =	sshll.u32 s26, $0x1;
	_ =	strace $0x80000046;
	[dreg:$0x1] =	wrdreg $0xFFFFFFFF  }
0xad: {  	s28 =	simm.s32 $_size_execute0_lowered;
	s4 =	sadd.s32 s4, s6;
	[dreg:$0x0] =	wrdreg $0x0  }
0xae: {  	s6 =	sshll.u32 s28, $0x1;
	[dreg:$0x2] =	wrdreg s4  }
0xaf: {  	[dreg:$0x3] =	wrdreg s6  }
0xb0: {  	[dreg:$0x4] =	wrdreg $0xC0  }
0xb1: {  	_ =	task [dreg:s8], $0x5FFFF  }
0xb2: {  	[dreg:$0x1] =	wrdreg $0xFFFFFFFF  }
0xb3: {  	[dreg:$0x0] =	wrdreg $0x60  }
0xb4: {  	[dreg:$0x2] =	wrdreg s15  }
0xb5: {  	[dreg:$0x3] =	wrdreg s24  }
0xb6: {  	[dreg:$0x4] =	wrdreg s16  }
0xb7: {  	[dreg:$0x5] =	wrdreg $0x94000  }
0xb8: {  	[dreg:$0x6] =	wrdreg $0x9  }
0xb9: {  	_ =	task.clear_ibuf [dreg:s8], $0x7FFFF;
	_ =	strace $0x90000046  }
0xba: {  	s29 =	simm.s32 $0x9;
	_ =	strace $0x80000048  }
0xbb: {  	_ =	swait.ge [sflag:s29], $0x1  }
0xbc: {  	[sflag:s29] =	ssyncadd.s32 $0xFFFFFFFF  }
0xbd: {  	_ =	strace $0x90000048  }
0xbe: {  	_ =	sfence  }
0xbf: {  	s30 =	sld [smem:$0x0];
	_ =	sdelay $0x2  }
0xc0: {  	s31 =	sshll.u32 s1, $0xD;
	s1 =	sshrl.u32 s1, $0x2  }
0xc1: {  	s3 =	sand.u32 $0x4000, s31;
	s1 =	sadd.s32 s1, s30  }
0xc2: {  	s0 =	sor.u32 s3, s0;
	s1 =	sshll.u32 s1, $0x11  }
0xc3: {  	s0 =	sor.u32 s1, s0  }
0xc4: {  	s0 =	sadd.s32 $0x8F2B, s0  }
0xc5: {  	[sflag:s0] =	ssyncadd.remote.s32 $0x1  }
0xc6: {  	_ =	sfence.sel $0xFFFF  }
0xc7: {  	[dreg:$0x0] =	wrdreg $0xFFFFFFFF;
	(pc) =	sbr.abs _section_cstart, $3  }
0xc8: {  	[dreg:$0x1] =	wrdreg $0xFFFFFFFF  }
0xc9: {  	_ =	task.clear_ibuf [dreg:s8], $0x2FFFF;
	_ =	strace $0x9FFFFFFF  }
0xca: {  	(tm) =	ssettm $0x7FFFFFFF  }
0xcb: {  	_ =	shalt  }
tec
execute0_lowered:
.L_overlay_start_1:
0x0: {  	(tag) =	ssettag $0x1  }
0x1: {  	s0 =	rddreg [dreg:$0x0]  }
0x2: {  	s4 =	rddreg [dreg:$0x1]  }
0x3: {  	s5 =	rddreg [dreg:$0x2];
	s1 =	srdreg.scid  }
0x4: {  	s6 =	stileid.u32;
	s2 =	rddreg [dreg:$0x3];
	s3 =	simm.s32 $0x0  }
0x5: {  	s26 =	simm.s32 $0x900;
	s28 =	simm.s32 $0x1100;
	s29 =	simm.s32 $0x1900  }
0x6: {  	s30 =	simm.s32 $0x2100;
	s31 =	simm.s32 $0x2900;
	s13 =	simm.s32 $0x5900  }
0x7: {  	s14 =	simm.s32 $0x6100;
	s15 =	simm.s32 $0x6900;
	s16 =	simm.s32 $0x7100  }
0x8: {  	s17 =	simm.s32 $0x7900;
	s7 =	sand.u32 $0x1, s1;
	[smem:$0x7FF] =	sst s3  }
0x9: {  	s8 =	sshll.u32 s6, $0x1;
	_ =	strace $0x80000047;
	[dreg:$0xb] =	wrdreg s26  }
0xa: {  	s10 =	sadd.s32 $0x1200, s4;
	s20 =	sshll.u32 s6, $0x9;
	[dreg:$0xc] =	wrdreg s28  }
0xb: {  	p0 =	sne.s32 s6, $0x0;
	s6 =	simm.s32 $0x80;
	[dreg:$0xd] =	wrdreg s29  }
0xc: {  	s8 =	sor.u32 s7, s8;
	s11 =	sshll.u32 s7, $0x4;
	[dreg:$0xe] =	wrdreg s30  }
0xd: {  	s21 =	sadd.s32 s20, s2;
	s7 =	ssub.s32 $0x2, s7;
	[dreg:$0xf] =	wrdreg s31  }
0xe: {  	s20 =	simm.s32 $0x9200;
	s9 =	smul.u32 $0x90, s8;
	s4 =	sadd.s32 s11, s4  }
0xf: {  	s8 =	smul.u32 $0x1200, s8;
	[dreg:$0x7] =	wrdreg s21;
	s25 =	sshrl.u32 s7, $0x1  }
0x10: {  	s11 =	simm.s32 $0x4900;
	s21 =	simm.s32 $0x50;
	s4 =	sadd.s32 $0x1600, s4  }
0x11: {  	s12 =	sshrl.u32 s9, $0x3;
	s9 =	sadd.s32 $0x50, s9;
	[dreg:$0x8] =	wrdreg s4  }
0x12: {  	s22 =	sadd.s32 s5, s8;
	s8 =	simm.s32 $0x3100;
	s18 =	sadd.s32 s10, s12  }
0x13: {  	s19 =	sshrl.u32 s9, $0x3;
	s23 =	sshll.u32 s9, $0x5;
	[dreg:$0x9] =	wrdreg s22  }
0x14: {  	s9 =	simm.s32 $0x3900;
	s12 =	simm.s32 $0x5100;
	s22 =	simm.s32 $0x9100  }
0x15: {  	[dreg:$0x5] =	wrdreg s18;
	s10 =	sadd.s32 s10, s19;
	s24 =	sadd.s32 s5, s23  }
0x16: {  	s5 =	ssub.s32 s7, s25;
	s7 =	simm.s32 $0x100;
	s18 =	simm.s32 $0x8100  }
0x17: {  	v2 =	vlaneseq.u32;
	vm0 =	vmmov $0xffff;
	s19 =	simm.s32 $0x8900;
	s23 =	simm.s32 $0x40;
	[dreg:$0x6] =	wrdreg s10  }
0x18: {  	v3 =	vimm.f32 $1.000000000e+00;
	v4 =	vimm.f32 $0.0e+00;
	v1 =	vshrl.u32 v2, $0x3;
	s25 =	simm.s32 $0x1;
	[dreg:$0xa] =	wrdreg s24;
	s4 =	smax.u32 s5, $0x1  }
0x19: {  	v0 =	vand.u32 $0x7, v2;
	v2 =	vor.u32 $0x8, v2;
	v1 =	vmul.u32 $0x8, v1;
	s5 =	simm.s32 $0x2;
	s10 =	simm.s32 $0x4100;
	s24 =	simm.s32 $0x9180  }
.LBB2_1:
0x1a: {  	s26 =	rddreg [dreg:$0x5]  }
0x1b: {  	[tilespmem:s3], [sflag:$0x2] =	stream.linear.gather [hbm4b:s26+s3], $0x50, $0x38;
	[tilespmem:$0x9600] =	vst v63  }
0x1c: {  	_ =	swait.ge [sflag:s5], $0x50  }
0x1d: {  	[sflag:s5] =	ssyncset.done $0x0  }
0x1e: {  	s28 =	rddreg [dreg:$0x6];
	[sflag:s5] =	ssyncadd.s32 $0xFFFFFFB0  }
0x1f: {  	[tilespmem:s6], [sflag:$0x2] =	stream.linear.gather [hbm4b:s28+s3], $0x40, $0x38;
	[tilespmem:$0x9600] =	vst v63  }
0x20: {  	_ =	swait.ge [sflag:s5], $0x40  }
0x21: {  	[sflag:s5] =	ssyncset.done $0x0  }
0x22: {  	[sflag:s5] =	ssyncadd.s32 $0xFFFFFFC0  }
0x23: {  	v5 =	vld [tilespmem:$0x0];
	_ =	sdelay $0x4  }
0x24: {  	v6 =	vshll.u32 v5, $0x1  }
0x25: {  	v5 =	vand.u32 $0x7, v5;
	v6 =	vand.u32 $0xFFFFFFF0, v6  }
0x26: {  	v5 =	vor.u32 v5, v6  }
0x27: {  	v6 =	vperm.xlane v5, v0;
	_ =	sdelay $0x1  }
0x28: {  	v5 =	vperm.xlane v5, v2;
	v6 =	vadd.s32 v1, v6;
	_ =	sdelay $0x1  }
0x29: {  	v5 =	vadd.s32 v1, v5;
	_ =	sdelay $0x2  }
0x2a: {  	[tilespmem:s7], [sflag:$0x1] =	stream.indirect_vreg.gather [hbm4b:s0+s3], $0x80, v6, vm0, $0xb8;
	[tilespmem:$0x9600] =	vst v63  }
0x2b: {  	s29 =	rddreg [dreg:$0xb]  }
0x2c: {  	[tilespmem:s29], [sflag:$0x1] =	stream.indirect_vreg.gather [hbm4b:s0+s3], $0x80, v5, vm0, $0xb8;
	[tilespmem:$0x9600] =	vst v63  }
0x2d: {  	v5 =	vld [tilespmem:$0x10];
	_ =	sdelay $0x4  }
0x2e: {  	v6 =	vshll.u32 v5, $0x1  }
0x2f: {  	v5 =	vand.u32 $0x7, v5;
	v6 =	vand.u32 $0xFFFFFFF0, v6  }
0x30: {  	v5 =	vor.u32 v5, v6  }
0x31: {  	v6 =	vperm.xlane v5, v0;
	_ =	sdelay $0x1  }
0x32: {  	v5 =	vperm.xlane v5, v2;
	v6 =	vadd.s32 v1, v6;
	_ =	sdelay $0x1  }
0x33: {  	v5 =	vadd.s32 v1, v5;
	_ =	sdelay $0x1  }
0x34: {  	s30 =	rddreg [dreg:$0xc]  }
0x35: {  	[tilespmem:s30], [sflag:$0x1] =	stream.indirect_vreg.gather [hbm4b:s0+s3], $0x80, v6, vm0, $0xb8;
	[tilespmem:$0x9600] =	vst v63  }
0x36: {  	s28 =	rddreg [dreg:$0xd]  }
0x37: {  	[tilespmem:s28], [sflag:$0x1] =	stream.indirect_vreg.gather [hbm4b:s0+s3], $0x80, v5, vm0, $0xb8;
	[tilespmem:$0x9600] =	vst v63  }
0x38: {  	v5 =	vld [tilespmem:$0x20];
	_ =	sdelay $0x4  }
0x39: {  	v6 =	vshll.u32 v5, $0x1  }
0x3a: {  	v5 =	vand.u32 $0x7, v5;
	v6 =	vand.u32 $0xFFFFFFF0, v6  }
0x3b: {  	v5 =	vor.u32 v5, v6  }
0x3c: {  	v6 =	vperm.xlane v5, v0;
	_ =	sdelay $0x1  }
0x3d: {  	v5 =	vperm.xlane v5, v2;
	v6 =	vadd.s32 v1, v6;
	_ =	sdelay $0x1  }
0x3e: {  	v5 =	vadd.s32 v1, v5;
	_ =	sdelay $0x1  }
0x3f: {  	s31 =	rddreg [dreg:$0xe]  }
0x40: {  	[tilespmem:s31], [sflag:$0x1] =	stream.indirect_vreg.gather [hbm4b:s0+s3], $0x80, v6, vm0, $0xb8;
	[tilespmem:$0x9600] =	vst v63  }
0x41: {  	s1 =	rddreg [dreg:$0xf]  }
0x42: {  	[tilespmem:s1], [sflag:$0x1] =	stream.indirect_vreg.gather [hbm4b:s0+s3], $0x80, v5, vm0, $0xb8;
	[tilespmem:$0x9600] =	vst v63  }
0x43: {  	v5 =	vld [tilespmem:$0x30];
	_ =	sdelay $0x4  }
0x44: {  	v6 =	vshll.u32 v5, $0x1  }
0x45: {  	v5 =	vand.u32 $0x7, v5;
	v6 =	vand.u32 $0xFFFFFFF0, v6  }
0x46: {  	v5 =	vor.u32 v5, v6  }
0x47: {  	v6 =	vperm.xlane v5, v0;
	_ =	sdelay $0x1  }
0x48: {  	v5 =	vperm.xlane v5, v2;
	v6 =	vadd.s32 v1, v6;
	_ =	sdelay $0x1  }
0x49: {  	v5 =	vadd.s32 v1, v5;
	_ =	sdelay $0x2  }
0x4a: {  	[tilespmem:s8], [sflag:$0x1] =	stream.indirect_vreg.gather [hbm4b:s0+s3], $0x80, v6, vm0, $0xb8;
	[tilespmem:$0x9600] =	vst v63  }
0x4b: {  	_ = 	snop  }
0x4c: {  	[tilespmem:s9], [sflag:$0x1] =	stream.indirect_vreg.gather [hbm4b:s0+s3], $0x80, v5, vm0, $0xb8;
	[tilespmem:$0x9600] =	vst v63  }
0x4d: {  	v5 =	vld [tilespmem:$0x40];
	_ =	sdelay $0x4  }
0x4e: {  	v6 =	vshll.u32 v5, $0x1  }
0x4f: {  	v5 =	vand.u32 $0x7, v5;
	v6 =	vand.u32 $0xFFFFFFF0, v6  }
0x50: {  	v5 =	vor.u32 v5, v6  }
0x51: {  	v6 =	vperm.xlane v5, v0;
	_ =	sdelay $0x1  }
0x52: {  	v5 =	vperm.xlane v5, v2;
	v6 =	vadd.s32 v1, v6;
	_ =	sdelay $0x1  }
0x53: {  	v5 =	vadd.s32 v1, v5;
	_ =	sdelay $0x2  }
0x54: {  	[tilespmem:s10], [sflag:$0x1] =	stream.indirect_vreg.gather [hbm4b:s0+s3], $0x80, v6, vm0, $0xb8;
	[tilespmem:$0x9600] =	vst v63  }
0x55: {  	_ = 	snop  }
0x56: {  	[tilespmem:s11], [sflag:$0x1] =	stream.indirect_vreg.gather [hbm4b:s0+s3], $0x80, v5, vm0, $0xb8;
	[tilespmem:$0x9600] =	vst v63  }
0x57: {  	v5 =	vld [tilespmem:$0x80];
	_ =	sdelay $0x4  }
0x58: {  	v6 =	vshll.u32 v5, $0x1  }
0x59: {  	v5 =	vand.u32 $0x7, v5;
	v6 =	vand.u32 $0xFFFFFFF0, v6  }
0x5a: {  	v5 =	vor.u32 v5, v6  }
0x5b: {  	v6 =	vperm.xlane v5, v0;
	_ =	sdelay $0x1  }
0x5c: {  	v5 =	vperm.xlane v5, v2;
	v6 =	vadd.s32 v1, v6;
	_ =	sdelay $0x1  }
0x5d: {  	v5 =	vadd.s32 v1, v5;
	_ =	sdelay $0x2  }
0x5e: {  	[tilespmem:s12], [sflag:$0x1] =	stream.indirect_vreg.gather [hbm4b:s0+s3], $0x80, v6, vm0, $0xb8;
	[tilespmem:$0x9600] =	vst v63  }
0x5f: {  	_ = 	snop  }
0x60: {  	[tilespmem:s13], [sflag:$0x1] =	stream.indirect_vreg.gather [hbm4b:s0+s3], $0x80, v5, vm0, $0xb8;
	[tilespmem:$0x9600] =	vst v63  }
0x61: {  	v5 =	vld [tilespmem:$0x90];
	_ =	sdelay $0x4  }
0x62: {  	v6 =	vshll.u32 v5, $0x1  }
0x63: {  	v5 =	vand.u32 $0x7, v5;
	v6 =	vand.u32 $0xFFFFFFF0, v6  }
0x64: {  	v5 =	vor.u32 v5, v6  }
0x65: {  	v6 =	vperm.xlane v5, v0;
	_ =	sdelay $0x1  }
0x66: {  	v5 =	vperm.xlane v5, v2;
	v6 =	vadd.s32 v1, v6;
	_ =	sdelay $0x1  }
0x67: {  	v5 =	vadd.s32 v1, v5;
	_ =	sdelay $0x2  }
0x68: {  	[tilespmem:s14], [sflag:$0x1] =	stream.indirect_vreg.gather [hbm4b:s0+s3], $0x80, v6, vm0, $0xb8;
	[tilespmem:$0x9600] =	vst v63  }
0x69: {  	_ = 	snop  }
0x6a: {  	[tilespmem:s15], [sflag:$0x1] =	stream.indirect_vreg.gather [hbm4b:s0+s3], $0x80, v5, vm0, $0xb8;
	[tilespmem:$0x9600] =	vst v63  }
0x6b: {  	v5 =	vld [tilespmem:$0xA0];
	_ =	sdelay $0x4  }
0x6c: {  	v6 =	vshll.u32 v5, $0x1  }
0x6d: {  	v5 =	vand.u32 $0x7, v5;
	v6 =	vand.u32 $0xFFFFFFF0, v6  }
0x6e: {  	v5 =	vor.u32 v5, v6  }
0x6f: {  	v6 =	vperm.xlane v5, v0;
	_ =	sdelay $0x1  }
0x70: {  	v5 =	vperm.xlane v5, v2;
	v6 =	vadd.s32 v1, v6;
	_ =	sdelay $0x1  }
0x71: {  	v5 =	vadd.s32 v1, v5;
	_ =	sdelay $0x2  }
0x72: {  	[tilespmem:s16], [sflag:$0x1] =	stream.indirect_vreg.gather [hbm4b:s0+s3], $0x80, v6, vm0, $0xb8;
	[tilespmem:$0x9600] =	vst v63  }
0x73: {  	_ = 	snop  }
0x74: {  	[tilespmem:s17], [sflag:$0x1] =	stream.indirect_vreg.gather [hbm4b:s0+s3], $0x80, v5, vm0, $0xb8;
	[tilespmem:$0x9600] =	vst v63  }
0x75: {  	v5 =	vld [tilespmem:$0xB0];
	_ =	sdelay $0x4  }
0x76: {  	v6 =	vshll.u32 v5, $0x1  }
0x77: {  	v5 =	vand.u32 $0x7, v5;
	v6 =	vand.u32 $0xFFFFFFF0, v6  }
0x78: {  	v5 =	vor.u32 v5, v6  }
0x79: {  	v6 =	vperm.xlane v5, v0;
	_ =	sdelay $0x1  }
0x7a: {  	v5 =	vperm.xlane v5, v2;
	v6 =	vadd.s32 v1, v6;
	_ =	sdelay $0x1  }
0x7b: {  	v5 =	vadd.s32 v1, v5;
	_ =	sdelay $0x2  }
0x7c: {  	[tilespmem:s18], [sflag:$0x1] =	stream.indirect_vreg.gather [hbm4b:s0+s3], $0x80, v6, vm0, $0xb8;
	[tilespmem:$0x9600] =	vst v63  }
0x7d: {  	_ = 	snop  }
0x7e: {  	[tilespmem:s19], [sflag:$0x1] =	stream.indirect_vreg.gather [hbm4b:s0+s3], $0x80, v5, vm0, $0xb8;
	[tilespmem:$0x9600] =	vst v63  }
0x7f: {  	[tilespmem:$0x9100] =	vst v3  }
0x80: {  	[tilespmem:$0x9110] =	vst v3  }
0x81: {  	[tilespmem:$0x9120] =	vst v3  }
0x82: {  	[tilespmem:$0x9130] =	vst v3  }
0x83: {  	[tilespmem:$0x9140] =	vst v3  }
0x84: {  	[tilespmem:$0x9180] =	vst v3  }
0x85: {  	[tilespmem:$0x9190] =	vst v3  }
0x86: {  	[tilespmem:$0x91A0] =	vst v3  }
0x87: {  	[tilespmem:$0x91B0] =	vst v3  }
0x88: {  	[tilespmem:$0x9200] =	vst v4  }
0x89: {  	[tilespmem:$0x9210] =	vst v4  }
0x8a: {  	[tilespmem:$0x9220] =	vst v4  }
0x8b: {  	[tilespmem:$0x9230] =	vst v4  }
0x8c: {  	[tilespmem:$0x9240] =	vst v4  }
0x8d: {  	[tilespmem:$0x9250] =	vst v4  }
0x8e: {  	[tilespmem:$0x9260] =	vst v4  }
0x8f: {  	[tilespmem:$0x9270] =	vst v4  }
0x90: {  	[tilespmem:$0x9280] =	vst v4  }
0x91: {  	[tilespmem:$0x9290] =	vst v4  }
0x92: {  	[tilespmem:$0x92A0] =	vst v4  }
0x93: {  	[tilespmem:$0x92B0] =	vst v4  }
0x94: {  	[tilespmem:$0x92C0] =	vst v4  }
0x95: {  	[tilespmem:$0x92D0] =	vst v4  }
0x96: {  	[tilespmem:$0x92E0] =	vst v4  }
0x97: {  	[tilespmem:$0x92F0] =	vst v4  }
0x98: {  	[tilespmem:$0x9300] =	vst v4  }
0x99: {  	[tilespmem:$0x9310] =	vst v4  }
0x9a: {  	[tilespmem:$0x9320] =	vst v4  }
0x9b: {  	[tilespmem:$0x9330] =	vst v4  }
0x9c: {  	[tilespmem:$0x9340] =	vst v4  }
0x9d: {  	[tilespmem:$0x9350] =	vst v4  }
0x9e: {  	[tilespmem:$0x9360] =	vst v4  }
0x9f: {  	[tilespmem:$0x9370] =	vst v4  }
0xa0: {  	[tilespmem:$0x9380] =	vst v4  }
0xa1: {  	[tilespmem:$0x9390] =	vst v4  }
0xa2: {  	[tilespmem:$0x93A0] =	vst v4  }
0xa3: {  	[tilespmem:$0x93B0] =	vst v4  }
0xa4: {  	[tilespmem:$0x93C0] =	vst v4  }
0xa5: {  	[tilespmem:$0x93D0] =	vst v4  }
0xa6: {  	[tilespmem:$0x93E0] =	vst v4  }
0xa7: {  	s29 =	rddreg [dreg:$0x7];
	[tilespmem:$0x93F0] =	vst v4  }
0xa8: {  	[spmem:s29] =	stream.linear.scatter [tilespmem:s20], [sflag:$0x2], $0x200, $0x38;
	[tilespmem:$0x9600] =	vst v63  }
0xa9: {  	_ =	swait.ge [sflag:s5], $0x200  }
0xaa: {  	[sflag:s5] =	ssyncset.done $0x0  }
0xab: {  	[sflag:s5] =	ssyncadd.s32 $0xFFFFFE00  }
0xac: {  	[bflag:$0x0] =	sbarrier.arrive $0xFFFF  }
0xad: {  	[spmem:s2] =	stream.indirect.scatter.add.f32 [tilespmem:s22], [sflag:$0x2], $0x1, s3, s21, $0xb8;
	[tilespmem:$0x9600] =	vst v63  }
0xae: {  	_ =	swait.ge [sflag:s5], $0x50  }
0xaf: {  	[sflag:s5] =	ssyncset.done $0x0  }
0xb0: {  	[sflag:s5] =	ssyncadd.s32 $0xFFFFFFB0  }
0xb1: {  	[spmem:s2] =	stream.indirect.scatter.add.f32 [tilespmem:s24], [sflag:$0x2], $0x1, s6, s23, $0xb8;
	[tilespmem:$0x9600] =	vst v63  }
0xb2: {  	_ =	swait.ge [sflag:s5], $0x40  }
0xb3: {  	[sflag:s5] =	ssyncset.done $0x0  }
0xb4: {  	s30 =	simm.s32 @!p0 $0x20;
	[sflag:s5] =	ssyncadd.s32 $0xFFFFFFC0  }
0xb5: {  	s28 =	sshrl.u32 @!p0 s2, $0x3;
	s31 =	simm.s32 @!p0 $0x10;
	[bflag:$0x0] =	sbarrier.arrive $0xFFFF  }
0xb6: {  	s1 =	simm.s32 @!p0 $0x1C02;
	s29 =	simm.s32 @!p0 $0x1;
	s26 =	rddreg [dreg:$0x8]  }
0xb7: {  	[hbm:s26@s30], [sflag:s1] =	dma.strided @!p0 [spmem:s28@s31], $0x400, s29, $0x10   }
0xb8: {  	s1 =	simm.s32 @!p0 $0x2  }
0xb9: {  	_ =	swait.ge @!p0 [sflag:s1], $0x400  }
0xba: {  	[sflag:s1] =	ssyncset.done @!p0 $0x0  }
0xbb: {  	[sflag:s1] =	ssyncadd.s32 @!p0 $0xFFFFFC00  }
0xbc: {  	_ =	swait.ge [sflag:s25], $0x5000  }
0xbd: {  	[sflag:s25] =	ssyncset.done $0x0  }
0xbe: {  	[sflag:s25] =	ssyncadd.s32 $0xFFFFB000  }
0xbf: {  	_ =	swait.ge [sflag:s25], $0x4000  }
0xc0: {  	[sflag:s25] =	ssyncset.done $0x0  }
0xc1: {  	s30 =	rddreg [dreg:$0x9];
	[sflag:s25] =	ssyncadd.s32 $0xFFFFC000  }
0xc2: {  	[hbm4b:s30+s3] =	stream.linear.scatter [tilespmem:s7], [sflag:$0x2], $0x5000, $0x38;
	[tilespmem:$0x9600] =	vst v63  }
0xc3: {  	s4 =	sadd.s32 $0xFFFFFFFF, s4;
	_ =	swait.ge [sflag:s5], $0x5000  }
0xc4: {  	p1 =	sne.s32 s4, $0x0;
	[sflag:s5] =	ssyncset.done $0x0  }
.Ltmp0:
0xc5: {  	s31 =	rddreg [dreg:$0xa];
	[sflag:s5] =	ssyncadd.s32 $0xFFFFB000;
	(pc) =	sbr.rel @p1 .LBB2_1-.Ltmp0, $4  }
0xc6: {  	[hbm4b:s31+s3] =	stream.linear.scatter [tilespmem:s12], [sflag:$0x2], $0x4000, $0x38;
	[tilespmem:$0x9600] =	vst v63  }
0xc7: {  	_ =	swait.ge [sflag:s5], $0x4000  }
0xc8: {  	[sflag:s5] =	ssyncset.done $0x0  }
0xc9: {  	[sflag:s5] =	ssyncadd.s32 $0xFFFFC000  }
0xca: {  	_ =	sfence.sel $0x180000  }
0xcb: {  	[bflag:$0x0] =	sbarrier.arrive $0xFFFF  }
0xcc: {  	_ =	strace $0x90000047  }
0xcd: {  	[bflag:$0x2] =	sbarrier.arrive $0xFFFF  }
0xce: {  	s0 =	rddreg [dreg:$0x4]  }
0xcf: {  	s0 =	sadd.s32 @!p0 $0x100000, s0  }
0xd0: {  	[sflag:s0] =	ssyncadd.tile.s32 @!p0 $0x1;
	_ =	shalt  }
.Lfunc_end2:
_tile_overlayer_lowered:
.L_overlay_start_2:
0xd1: {  	(tag) =	ssettag $0x2  }
0xd2: {  	s0 =	rddreg [dreg:$0x0];
	s2 =	stileid.u32  }
0xd3: {  	s1 =	rddreg [dreg:$0x1];
	p0 =	sne.s32 s2, $0x0  }
0xd4: {  	s3 =	rddreg [dreg:$0x2];
	[bflag:$0x3] =	sbarrier.arrive $0xFFFF;
	s2 =	simm.s32 @!p0 $0x1C02  }
0xd5: {  	[timem:s3], [sflag:s2] =	dma.local @!p0 [hbm:s0], s1  }
0xd6: {  	s0 =	simm.s32 @!p0 $0x2  }
0xd7: {  	_ =	swait.ge @!p0 [sflag:s0], s1  }
0xd8: {  	s1 =	ssub.s32 @!p0 $0x0, s1;
	[sflag:s0] =	ssyncset.done @!p0 $0x0  }
0xd9: {  	[sflag:s0] =	ssyncadd.s32 @!p0 s1  }
0xda: {  	[bflag:$0x3] =	sbarrier.arrive $0xFFFF  }
0xdb: {  	_ =	shalt  }

</sc_bundles>
